<compile_context>
chip_gen: v7x
topology: tpu7x:2x2x1
jax: 0.10.2.dev20260603
libtpu: 0.0.44.dev20260713+nightly
codegen_flags: <defaults>
</compile_context>

<pallas_src>
import jax
import jax.numpy as jnp
from jax.experimental import pallas as pl
from jax.experimental.pallas import tpu as pltpu
from jax.experimental.pallas import tpu_sc as plsc

_B, _T, _N, _F = 16, 32, 68, 128
_SD, _TD, _NC, _E = 256, 256, 500, 680
_CD = 256
_TB = _T * _B
_FPP = 4
_K = _FPP * _B

_DNT = (((1,), (1,)), ((), ()))


def _dot(a, b):
    return jnp.dot(a, b, preferred_element_type=jnp.float32)


def _dot_t(a, b):
    return jax.lax.dot_general(a, b, _DNT, preferred_element_type=jnp.float32)



_NSC, _NSUB = 2, 16
_EPW = 32
_ESLOTS = _NSC * _NSUB * _EPW
_STR = 80
_ABUF = _N * _STR
_ABUFP = 8192
_SBUF = 2 * _ABUFP
_ZCH = _SBUF // _NSUB


def _count_body(i12_ref, out_ref, idx_v, ones_v, zv, cbuf, s):
    cid = jax.lax.axis_index("c")
    sid = jax.lax.axis_index("s")
    wid = cid * _NSUB + sid

    @pl.loop(0, 2 * _EPW, step=16)
    def _(i):
        ones_v[pl.ds(i, 16)] = jnp.ones((16,), jnp.float32)

    @pl.loop(0, _ZCH, step=16)
    def _(i):
        zv[pl.ds(i, 16)] = jnp.zeros((16,), jnp.float32)

    sl = pl.ds(sid * _ZCH, _ZCH)
    pltpu.sync_copy(zv, s.at[sl])
    plsc.subcore_barrier()

    pltpu.sync_copy(i12_ref.at[wid], idx_v)
    pltpu.sync_copy(ones_v, s.at[idx_v.at[0]], add=True)
    plsc.subcore_barrier()

    pltpu.sync_copy(s.at[sl], cbuf)
    pltpu.sync_copy(cbuf, out_ref.at[pl.ds(cid * _SBUF + sid * _ZCH, _ZCH)])


def _sc_edge_counts(i12):
    return pl.kernel(
        _count_body,
        out_type=jax.ShapeDtypeStruct((_NSC * _SBUF,), jnp.float32),
        mesh=plsc.VectorSubcoreMesh(core_axis_name="c", subcore_axis_name="s"),
        scratch_types=[
            pltpu.VMEM((1, 2 * _EPW), jnp.int32),
            pltpu.VMEM((2 * _EPW,), jnp.float32),
            pltpu.VMEM((_ZCH,), jnp.float32),
            pltpu.VMEM((_ZCH,), jnp.float32),
            pltpu.VMEM_SHARED((_SBUF,), jnp.float32),
        ],
    )(i12)


def _gcn_body(cs_ref, w0_ref, b0_ref, w1_ref, b1_ref, w2_ref, b2_ref, x_ref, out_ref):
    cnt = cs_ref[0, :, 0:_N]
    cntT = cs_ref[1, :, 0:_N]
    deg_c = jnp.sum(cnt, axis=1, keepdims=True) + 1.0
    deg_r = jnp.sum(cntT, axis=0, keepdims=True) + 1.0
    eye = (
        jax.lax.broadcasted_iota(jnp.int32, (_N, _N), 0)
        == jax.lax.broadcasted_iota(jnp.int32, (_N, _N), 1)
    ).astype(jnp.float32)
    A = (cnt + eye) * jax.lax.rsqrt(deg_c) * jax.lax.rsqrt(deg_r)

    def layer(h, w_ref, bt, din):
        w = w_ref[...]
        y = jnp.concatenate(
            [_dot(h[:, i * din : (i + 1) * din], w) for i in range(_K)], axis=1
        )
        return jnp.maximum(_dot(A, y) + bt, 0.0)

    h = jnp.concatenate(
        [x_ref[i, j] for j in range(_FPP) for i in range(_B)], axis=1
    )
    bts = [jnp.tile(b_ref[...], (1, _K)) for b_ref in (b0_ref, b1_ref, b2_ref)]
    h = layer(h, w0_ref, bts[0], _F)
    h = layer(h, w1_ref, bts[1], _SD)
    h = layer(h, w2_ref, bts[2], _SD)
    out_ref[0, 0, :] = jnp.mean(h, axis=0)


def _lstm_body(
    seq_ref,
    wih0f_ref,
    whh0f_ref,
    wih0b_ref,
    whh0b_ref,
    wih1f_ref,
    whh1f_ref,
    wih1b_ref,
    whh1b_ref,
    bias0_ref,
    bias1_ref,
    clsw1_ref,
    clsb1_ref,
    clsw2_ref,
    clsb2_ref,
    out_ref,
    g0_ref,
    seq1_ref,
    g1_ref,
):
    H4 = 4 * _TD

    seq = seq_ref[...]
    g0_ref[:, 0:H4] = _dot_t(seq, wih0f_ref[...]) + bias0_ref[:, 0:H4]
    g0_ref[:, H4 : 2 * H4] = _dot_t(seq, wih0b_ref[...]) + bias0_ref[:, H4 : 2 * H4]

    def cell(g, c):
        i = jax.nn.sigmoid(g[:, 0:_TD])
        f = jax.nn.sigmoid(g[:, _TD : 2 * _TD])
        gg = jnp.tanh(g[:, 2 * _TD : 3 * _TD])
        o = jax.nn.sigmoid(g[:, 3 * _TD : 4 * _TD])
        c = f * c + i * gg
        return o * jnp.tanh(c), c

    def step0(s, carry):
        hf, cf, hb, cb = carry
        gf = g0_ref[pl.ds(s * _B, _B), 0:H4] + _dot_t(hf, whh0f_ref[...])
        gb = g0_ref[pl.ds((_T - 1 - s) * _B, _B), H4 : 2 * H4] + _dot_t(
            hb, whh0b_ref[...]
        )
        hf, cf = cell(gf, cf)
        hb, cb = cell(gb, cb)
        seq1_ref[pl.ds(s * _B, _B), 0:_TD] = hf
        seq1_ref[pl.ds((_T - 1 - s) * _B, _B), _TD : 2 * _TD] = hb
        return hf, cf, hb, cb

    z = jnp.zeros((_B, _TD), jnp.float32)
    jax.lax.fori_loop(0, _T, step0, (z, z, z, z))

    seq1 = seq1_ref[...]
    g1_ref[:, 0:H4] = _dot_t(seq1, wih1f_ref[...]) + bias1_ref[:, 0:H4]
    g1_ref[:, H4 : 2 * H4] = _dot_t(seq1, wih1b_ref[...]) + bias1_ref[:, H4 : 2 * H4]

    def step1(s, carry):
        hf, cf, hb, cb = carry
        gf = g1_ref[pl.ds(s * _B, _B), 0:H4] + _dot_t(hf, whh1f_ref[...])
        gb = g1_ref[pl.ds((_T - 1 - s) * _B, _B), H4 : 2 * H4] + _dot_t(
            hb, whh1b_ref[...]
        )
        hf, cf = cell(gf, cf)
        hb, cb = cell(gb, cb)
        return hf, cf, hb, cb

    h1f, _, h1b, _ = jax.lax.fori_loop(0, _T, step1, (z, z, z, z))

    to = jnp.concatenate([h1f, h1b], axis=1)
    h = jnp.maximum(_dot(to, clsw1_ref[...]) + clsb1_ref[...], 0.0)
    out_ref[...] = _dot(h, clsw2_ref[...]) + clsb2_ref[...]


@jax.jit
def kernel(x_temporal, edge_index, gcn_W0, gcn_b0, gcn_W1, gcn_b1, gcn_W2, gcn_b2, lstm_Wih_l0f, lstm_Whh_l0f, lstm_bih_l0f, lstm_bhh_l0f, lstm_Wih_l0b, lstm_Whh_l0b, lstm_bih_l0b, lstm_bhh_l0b, lstm_Wih_l1f, lstm_Whh_l1f, lstm_bih_l1f, lstm_bhh_l1f, lstm_Wih_l1b, lstm_Whh_l1b, lstm_bih_l1b, lstm_bhh_l1b, cls_W1, cls_b1, bn_gamma, bn_beta, bn_mean, bn_var, cls_W2, cls_b2):
    f32 = jnp.float32
    H4 = 4 * _TD

    srcn = edge_index[0]
    dstn = edge_index[1]
    npad = _ESLOTS - _E
    pad = _ABUF + (jnp.arange(npad, dtype=jnp.int32) % (_ABUFP - _ABUF))
    f1 = jnp.concatenate([dstn * _STR + srcn, pad]).reshape(_NSC * _NSUB, _EPW)
    f2 = _ABUFP + jnp.concatenate([srcn * _STR + dstn, pad]).reshape(
        _NSC * _NSUB, _EPW
    )
    i12 = jnp.concatenate([f1, f2], axis=1).reshape(_NSC * _NSUB, 1, 2 * _EPW)
    parts = _sc_edge_counts(i12).reshape(_NSC, 2, _ABUFP)
    csum = parts[0] + parts[1]
    cs2 = csum[:, :_ABUF].reshape(2, _N, _STR)

    bt = [b.reshape(1, _SD) for b in (gcn_b0, gcn_b1, gcn_b2)]
    ngp = _T // _FPP
    seq = pl.pallas_call(
        _gcn_body,
        grid=(ngp,),
        in_specs=[
            pl.BlockSpec((2, _N, _STR), lambda t: (0, 0, 0)),
            pl.BlockSpec((_F, _SD), lambda t: (0, 0)),
            pl.BlockSpec((1, _SD), lambda t: (0, 0)),
            pl.BlockSpec((_SD, _SD), lambda t: (0, 0)),
            pl.BlockSpec((1, _SD), lambda t: (0, 0)),
            pl.BlockSpec((_SD, _SD), lambda t: (0, 0)),
            pl.BlockSpec((1, _SD), lambda t: (0, 0)),
            pl.BlockSpec((_B, _FPP, _N, _F), lambda t: (0, t, 0, 0)),
        ],
        out_specs=pl.BlockSpec((1, 1, _K * _SD), lambda t: (t, 0, 0)),
        out_shape=jax.ShapeDtypeStruct((ngp, 1, _K * _SD), f32),
    )(cs2, gcn_W0, bt[0], gcn_W1, bt[1], gcn_W2, bt[2], x_temporal)
    seq = seq.reshape(_TB, _SD)

    bias0 = jnp.concatenate(
        [lstm_bih_l0f + lstm_bhh_l0f, lstm_bih_l0b + lstm_bhh_l0b]
    ).reshape(1, 2 * H4)
    bias1 = jnp.concatenate(
        [lstm_bih_l1f + lstm_bhh_l1f, lstm_bih_l1b + lstm_bhh_l1b]
    ).reshape(1, 2 * H4)

    scale = bn_gamma * jax.lax.rsqrt(bn_var + 1e-5)
    w1s = cls_W1 * scale[None, :]
    b1s = ((cls_b1 - bn_mean) * scale + bn_beta).reshape(1, _CD)

    logits = pl.pallas_call(
        _lstm_body,
        out_shape=jax.ShapeDtypeStruct((_B, _NC), f32),
        scratch_shapes=[
            pltpu.VMEM((_TB, 2 * H4), f32),
            pltpu.VMEM((_TB, 2 * _TD), f32),
            pltpu.VMEM((_TB, 2 * H4), f32),
        ],
    )(
        seq,
        lstm_Wih_l0f,
        lstm_Whh_l0f,
        lstm_Wih_l0b,
        lstm_Whh_l0b,
        lstm_Wih_l1f,
        lstm_Whh_l1f,
        lstm_Wih_l1b,
        lstm_Whh_l1b,
        bias0,
        bias1,
        w1s,
        b1s,
        cls_W2,
        cls_b2.reshape(1, _NC),
    )
    return logits

# --- scband reference (transcript-rebuilt; emitter-appended) ---
"""Pipeline reference for scband-combined-model-13408887898119 (READ-ONLY COPY).

The authoritative reference and input builder live on the scoring server;
editing this copy changes nothing except your own understanding.
"""

import jax, jax.numpy as jnp
import numpy as np

B, T, N, F = 16, 32, 68, 128
SD, TD, NC, E = 256, 256, 500, 680
CD = max(TD, (2 * TD) // 2)


def _init(key, shape, scale=0.05):
    return scale * jax.random.normal(key, shape, dtype=jnp.float32)


def setup_inputs(seed: int = 0) -> dict:
    key = jax.random.key(seed)
    ks = iter(jax.random.split(key, 64))
    inp = {}
    inp["x_temporal"] = jax.random.normal(next(ks), (B, T, N, F), dtype=jnp.float32)
    inp["edge_index"] = jax.random.randint(next(ks), (2, E), 0, N, dtype=jnp.int32)
    dims = [(F, SD), (SD, SD), (SD, SD)]
    for i, (di, do) in enumerate(dims):
        inp[f"gcn_W{i}"] = _init(next(ks), (di, do))
        inp[f"gcn_b{i}"] = jnp.zeros((do,), jnp.float32)
    for l in range(2):
        din = SD if l == 0 else 2 * TD
        for d in ("f", "b"):
            inp[f"lstm_Wih_l{l}{d}"] = _init(next(ks), (4 * TD, din))
            inp[f"lstm_Whh_l{l}{d}"] = _init(next(ks), (4 * TD, TD))
            inp[f"lstm_bih_l{l}{d}"] = jnp.zeros((4 * TD,), jnp.float32)
            inp[f"lstm_bhh_l{l}{d}"] = jnp.zeros((4 * TD,), jnp.float32)
    inp["cls_W1"] = _init(next(ks), (2 * TD, CD))
    inp["cls_b1"] = jnp.zeros((CD,), jnp.float32)
    inp["bn_gamma"] = jnp.ones((CD,), jnp.float32)
    inp["bn_beta"] = jnp.zeros((CD,), jnp.float32)
    inp["bn_mean"] = jnp.zeros((CD,), jnp.float32)
    inp["bn_var"] = jnp.ones((CD,), jnp.float32)
    inp["cls_W2"] = _init(next(ks), (CD, NC))
    inp["cls_b2"] = jnp.zeros((NC,), jnp.float32)
    return inp


def _lstm_dir(x_seq, Wih, Whh, bih, bhh, reverse):
    Bv = x_seq.shape[1]
    H = Whh.shape[1]
    xs = jnp.flip(x_seq, 0) if reverse else x_seq

    def step(carry, x_t):
        h, c = carry
        gates = x_t @ Wih.T + h @ Whh.T + bih + bhh
        i, f, g, o = jnp.split(gates, 4, axis=-1)
        i = jax.nn.sigmoid(i)
        f = jax.nn.sigmoid(f)
        g = jnp.tanh(g)
        o = jax.nn.sigmoid(o)
        c = f * c + i * g
        h = o * jnp.tanh(c)
        return (h, c), h

    init = (jnp.zeros((Bv, H), jnp.float32), jnp.zeros((Bv, H), jnp.float32))
    (hT, _), hs = jax.lax.scan(step, init, xs)
    outs = jnp.flip(hs, 0) if reverse else hs
    return outs, hT


def _forward(p, edge_index):
    x = p["x_temporal"]
    Bv, Tv, Nv, Fv = x.shape
    src, dst = edge_index[0], edge_index[1]
    offsets = (jnp.arange(Bv) * Nv).astype(src.dtype)
    src_b = (src[None, :] + offsets[:, None]).reshape(-1)
    dst_b = (dst[None, :] + offsets[:, None]).reshape(-1)
    NB = Bv * Nv
    loops = jnp.arange(NB, dtype=src.dtype)
    src_all = jnp.concatenate([src_b, loops])
    dst_all = jnp.concatenate([dst_b, loops])
    # GCN symmetric normalization with self-loops
    deg = jax.ops.segment_sum(jnp.ones(src_all.shape[0], jnp.float32), dst_all, NB)
    dinv = jax.lax.rsqrt(deg)
    norm = dinv[src_all] * dinv[dst_all]

    def gcn_conv(h, W, b):
        msg = h[src_all] * norm[:, None]
        agg = jax.ops.segment_sum(msg, dst_all, NB)
        return agg @ W + b

    def spatial(xt):
        h = jax.nn.relu(gcn_conv(xt, p["gcn_W0"], p["gcn_b0"]))
        h = jax.nn.relu(gcn_conv(h, p["gcn_W1"], p["gcn_b1"]))
        h = jax.nn.relu(gcn_conv(h, p["gcn_W2"], p["gcn_b2"]))
        return h.reshape(Bv, Nv, -1).mean(axis=1)  # global mean pool per graph

    xt_all = x.transpose(1, 0, 2, 3).reshape(Tv, Bv * Nv, Fv)
    seq = jax.vmap(spatial)(xt_all)  # [T, B, SD]

    o0f, _ = _lstm_dir(seq, p["lstm_Wih_l0f"], p["lstm_Whh_l0f"], p["lstm_bih_l0f"], p["lstm_bhh_l0f"], False)
    o0b, _ = _lstm_dir(seq, p["lstm_Wih_l0b"], p["lstm_Whh_l0b"], p["lstm_bih_l0b"], p["lstm_bhh_l0b"], True)
    seq1 = jnp.concatenate([o0f, o0b], axis=-1)
    _, h1f = _lstm_dir(seq1, p["lstm_Wih_l1f"], p["lstm_Whh_l1f"], p["lstm_bih_l1f"], p["lstm_bhh_l1f"], False)
    _, h1b = _lstm_dir(seq1, p["lstm_Wih_l1b"], p["lstm_Whh_l1b"], p["lstm_bih_l1b"], p["lstm_bhh_l1b"], True)
    temporal_out = jnp.concatenate([h1f, h1b], axis=-1)  # [B, 2*TD]

    h = temporal_out @ p["cls_W1"] + p["cls_b1"]
    h = (h - p["bn_mean"]) * jax.lax.rsqrt(p["bn_var"] + 1e-5) * p["bn_gamma"] + p["bn_beta"]
    h = jax.nn.relu(h)
    logits = h @ p["cls_W2"] + p["cls_b2"]
    return logits


def reference(
    x_temporal,
    edge_index,
    gcn_W0,
    gcn_b0,
    gcn_W1,
    gcn_b1,
    gcn_W2,
    gcn_b2,
    lstm_Wih_l0f,
    lstm_Whh_l0f,
    lstm_bih_l0f,
    lstm_bhh_l0f,
    lstm_Wih_l0b,
    lstm_Whh_l0b,
    lstm_bih_l0b,
    lstm_bhh_l0b,
    lstm_Wih_l1f,
    lstm_Whh_l1f,
    lstm_bih_l1f,
    lstm_bhh_l1f,
    lstm_Wih_l1b,
    lstm_Whh_l1b,
    lstm_bih_l1b,
    lstm_bhh_l1b,
    cls_W1,
    cls_b1,
    bn_gamma,
    bn_beta,
    bn_mean,
    bn_var,
    cls_W2,
    cls_b2,
):
    kw = {
        "x_temporal": x_temporal,
        "gcn_W0": gcn_W0,
        "gcn_b0": gcn_b0,
        "gcn_W1": gcn_W1,
        "gcn_b1": gcn_b1,
        "gcn_W2": gcn_W2,
        "gcn_b2": gcn_b2,
        "lstm_Wih_l0f": lstm_Wih_l0f,
        "lstm_Whh_l0f": lstm_Whh_l0f,
        "lstm_bih_l0f": lstm_bih_l0f,
        "lstm_bhh_l0f": lstm_bhh_l0f,
        "lstm_Wih_l0b": lstm_Wih_l0b,
        "lstm_Whh_l0b": lstm_Whh_l0b,
        "lstm_bih_l0b": lstm_bih_l0b,
        "lstm_bhh_l0b": lstm_bhh_l0b,
        "lstm_Wih_l1f": lstm_Wih_l1f,
        "lstm_Whh_l1f": lstm_Whh_l1f,
        "lstm_bih_l1f": lstm_bih_l1f,
        "lstm_bhh_l1f": lstm_bhh_l1f,
        "lstm_Wih_l1b": lstm_Wih_l1b,
        "lstm_Whh_l1b": lstm_Whh_l1b,
        "lstm_bih_l1b": lstm_bih_l1b,
        "lstm_bhh_l1b": lstm_bhh_l1b,
        "cls_W1": cls_W1,
        "cls_b1": cls_b1,
        "bn_gamma": bn_gamma,
        "bn_beta": bn_beta,
        "bn_mean": bn_mean,
        "bn_var": bn_var,
        "cls_W2": cls_W2,
        "cls_b2": cls_b2,
    }
    return _forward(kw, edge_index)

if __name__ == "__main__":
    import jax
    _d = setup_inputs()
    print(jax.jit(kernel)(*tuple(_d.values())))

</pallas_src>

<mosaic_0001>
#map = affine_map<(d0, d1) -> (0, 0, 0)>
#map1 = affine_map<(d0, d1) -> (0)>
module attributes {stable_mosaic.version = 14 : i64} {
  func.func @_count_body(%arg0: i32, %arg1: i32, %arg2: memref<32x1x64xi32, #tpu.memory_space<hbm>>, %arg3: memref<32768xf32, #tpu.memory_space<hbm>>, %arg4: memref<1x64xi32, #tpu.memory_space<vmem>>, %arg5: memref<64xf32, #tpu.memory_space<vmem>>, %arg6: memref<1024xf32, #tpu.memory_space<vmem>>, %arg7: memref<1024xf32, #tpu.memory_space<vmem>>, %arg8: memref<16384xf32, #tpu.memory_space<vmem_shared>>) attributes {dimension_semantics = [#tpu.dimension_semantics<core_parallel>, #tpu.dimension_semantics<subcore_parallel>], iteration_bounds = array<i64: 2, 16>, scalar_prefetch = 0 : i64, scratch_operands = 5 : i64, tpu.core_type = #tpu.core_type<sc_vector_subcore>, window_params = [{transform_indices = #map}, {transform_indices = #map1}]} {
    %mul3A = arith.constant 16 : i32
    %mul3A_0 = arith.muli %arg0, %mul3A : i32
    %add3A = arith.addi %mul3A_0, %arg1 : i32
    %scan3A = arith.constant 0 : i32
    %scan3A_1 = arith.constant 4 : i32
    %scan3A_2 = arith.addi %scan3A, %scan3A_1 : i32
    %scan3A_3 = arith.constant 1 : i32
    scf.for %scan3A_18 = %scan3A to %scan3A_2 step %scan3A_3  : i32 {
      %mul3A_19 = arith.constant 16 : i32
      %mul3A_20 = arith.muli %scan3A_18, %mul3A_19 : i32
      %add3A_21 = arith.constant 0 : i32
      %add3A_22 = arith.addi %add3A_21, %mul3A_20 : i32
      %broadcast_in_dim3A = arith.constant 1.000000e+00 : f32
      %broadcast_in_dim3A_23 = vector.broadcast %broadcast_in_dim3A : f32 to vector<16xf32>
      %swap3A = arith.index_cast %add3A_22 : i32 to index
      %swap3A_24 = tpu.vector_load %arg5[%swap3A] {strides = array<i32>} : memref<64xf32, #tpu.memory_space<vmem>>, vector<16xf32>,
      %swap3A_25 = vector.shape_cast %swap3A_24 : vector<16xf32> to vector<16xf32>
      %swap3A_26 = vector.shape_cast %broadcast_in_dim3A_23 : vector<16xf32> to vector<16xf32>
      tpu.vector_store %arg5[%swap3A], %swap3A_26 {strides = array<i32>} : memref<64xf32, #tpu.memory_space<vmem>>, vector<16xf32>,
    }
    %scan3A_4 = arith.constant 4 : i32
    %scan3A_5 = arith.constant 0 : i32
    %scan3A_6 = arith.constant 64 : i32
    %scan3A_7 = arith.addi %scan3A_5, %scan3A_6 : i32
    %scan3A_8 = arith.constant 1 : i32
    scf.for %scan3A_18 = %scan3A_5 to %scan3A_7 step %scan3A_8  : i32 {
      %mul3A_19 = arith.constant 16 : i32
      %mul3A_20 = arith.muli %scan3A_18, %mul3A_19 : i32
      %add3A_21 = arith.constant 0 : i32
      %add3A_22 = arith.addi %add3A_21, %mul3A_20 : i32
      %broadcast_in_dim3A = arith.constant 0.000000e+00 : f32
      %broadcast_in_dim3A_23 = vector.broadcast %broadcast_in_dim3A : f32 to vector<16xf32>
      %swap3A = arith.index_cast %add3A_22 : i32 to index
      %swap3A_24 = tpu.vector_load %arg6[%swap3A] {strides = array<i32>} : memref<1024xf32, #tpu.memory_space<vmem>>, vector<16xf32>,
      %swap3A_25 = vector.shape_cast %swap3A_24 : vector<16xf32> to vector<16xf32>
      %swap3A_26 = vector.shape_cast %broadcast_in_dim3A_23 : vector<16xf32> to vector<16xf32>
      tpu.vector_store %arg6[%swap3A], %swap3A_26 {strides = array<i32>} : memref<1024xf32, #tpu.memory_space<vmem>>, vector<16xf32>,
    }
    %scan3A_9 = arith.constant 64 : i32
    %mul3A_10 = arith.constant 1024 : i32
    %mul3A_11 = arith.muli %arg1, %mul3A_10 : i32
    "tpu.region"() ({
      %run_scoped3A_18 = tpu.sem_alloc : memref<!tpu.dma_semaphore, #tpu.memory_space<semaphore_mem>>
      %dma_start3A = tpu.memref_slice %arg8[%mul3A_11] : memref<16384xf32, #tpu.memory_space<vmem_shared>> -> memref<1024xf32, #tpu.memory_space<vmem_shared>>
      %dma_start3A_19 = tpu.memref_slice %arg8[%mul3A_11] : memref<16384xf32, #tpu.memory_space<vmem_shared>> -> memref<1024xf32, #tpu.memory_space<vmem_shared>>
      tpu.enqueue_dma source(%arg6 : memref<1024xf32, #tpu.memory_space<vmem>>) target(%dma_start3A_19 : memref<1024xf32, #tpu.memory_space<vmem_shared>>) target_semaphore(%run_scoped3A_18 : memref<!tpu.dma_semaphore, #tpu.memory_space<semaphore_mem>>)
      %dma_wait3A = tpu.memref_slice %arg8[%mul3A_11] : memref<16384xf32, #tpu.memory_space<vmem_shared>> -> memref<1024xf32, #tpu.memory_space<vmem_shared>>
      %dma_wait3A_20 = tpu.memref_slice %arg8[%mul3A_11] : memref<16384xf32, #tpu.memory_space<vmem_shared>> -> memref<1024xf32, #tpu.memory_space<vmem_shared>>
      tpu.wait_dma2 semaphore(%run_scoped3A_18 : memref<!tpu.dma_semaphore, #tpu.memory_space<semaphore_mem>>) src(%arg6 : memref<1024xf32, #tpu.memory_space<vmem>>) dst(%dma_wait3A_20 : memref<1024xf32, #tpu.memory_space<vmem_shared>>)
      tpu.yield
    }) : () -> ()
    %barrier3A = arith.constant 0 : index
    tpu.barrier barrier_id(%barrier3A)
    "tpu.region"() ({
      %run_scoped3A_18 = tpu.sem_alloc : memref<!tpu.dma_semaphore, #tpu.memory_space<semaphore_mem>>
      %dma_start3A = arith.constant 0 : i32
      %dma_start3A_19 = arith.constant 0 : i32
      %dma_start3A_20 = tpu.memref_slice %arg2[%add3A, %dma_start3A, %dma_start3A_19] : memref<32x1x64xi32, #tpu.memory_space<hbm>> -> memref<1x1x64xi32, #tpu.memory_space<hbm>>
      %dma_start3A_21 = tpu.memref_squeeze %dma_start3A_20 : memref<1x1x64xi32, #tpu.memory_space<hbm>> -> memref<1x64xi32, #tpu.memory_space<hbm>>
      %dma_start3A_22 = arith.constant 0 : i32
      %dma_start3A_23 = arith.constant 0 : i32
      %dma_start3A_24 = tpu.memref_slice %arg2[%add3A, %dma_start3A_22, %dma_start3A_23] : memref<32x1x64xi32, #tpu.memory_space<hbm>> -> memref<1x1x64xi32, #tpu.memory_space<hbm>>
      %dma_start3A_25 = tpu.memref_squeeze %dma_start3A_24 : memref<1x1x64xi32, #tpu.memory_space<hbm>> -> memref<1x64xi32, #tpu.memory_space<hbm>>
      tpu.enqueue_dma source(%dma_start3A_25 : memref<1x64xi32, #tpu.memory_space<hbm>>) target(%arg4 : memref<1x64xi32, #tpu.memory_space<vmem>>) target_semaphore(%run_scoped3A_18 : memref<!tpu.dma_semaphore, #tpu.memory_space<semaphore_mem>>)
      %dma_wait3A = arith.constant 0 : i32
      %dma_wait3A_26 = arith.constant 0 : i32
      %dma_wait3A_27 = tpu.memref_slice %arg2[%add3A, %dma_wait3A, %dma_wait3A_26] : memref<32x1x64xi32, #tpu.memory_space<hbm>> -> memref<1x1x64xi32, #tpu.memory_space<hbm>>
      %dma_wait3A_28 = tpu.memref_squeeze %dma_wait3A_27 : memref<1x1x64xi32, #tpu.memory_space<hbm>> -> memref<1x64xi32, #tpu.memory_space<hbm>>
      %dma_wait3A_29 = arith.constant 0 : i32
      %dma_wait3A_30 = arith.constant 0 : i32
      %dma_wait3A_31 = tpu.memref_slice %arg2[%add3A, %dma_wait3A_29, %dma_wait3A_30] : memref<32x1x64xi32, #tpu.memory_space<hbm>> -> memref<1x1x64xi32, #tpu.memory_space<hbm>>
      %dma_wait3A_32 = tpu.memref_squeeze %dma_wait3A_31 : memref<1x1x64xi32, #tpu.memory_space<hbm>> -> memref<1x64xi32, #tpu.memory_space<hbm>>
      tpu.wait_dma2 semaphore(%run_scoped3A_18 : memref<!tpu.dma_semaphore, #tpu.memory_space<semaphore_mem>>) src(%dma_wait3A_32 : memref<1x64xi32, #tpu.memory_space<hbm>>) dst(%arg4 : memref<1x64xi32, #tpu.memory_space<vmem>>)
      tpu.yield
    }) : () -> ()
    %run_scoped3A = arith.constant 0 : i32
    "tpu.region"() ({
      %run_scoped3A_18 = tpu.sem_alloc : memref<!tpu.dma_semaphore, #tpu.memory_space<semaphore_mem>>
      %dma_start3A = arith.constant 0 : i32
      %dma_start3A_19 = tpu.memref_slice %arg4[%run_scoped3A, %dma_start3A] : memref<1x64xi32, #tpu.memory_space<vmem>> -> memref<1x64xi32, #tpu.memory_space<vmem>>
      %dma_start3A_20 = tpu.memref_squeeze %dma_start3A_19 : memref<1x64xi32, #tpu.memory_space<vmem>> -> memref<64xi32, #tpu.memory_space<vmem>>
      %dma_start3A_21 = arith.constant 0 : i32
      %dma_start3A_22 = tpu.memref_slice %arg8[%dma_start3A_21] : memref<16384xf32, #tpu.memory_space<vmem_shared>> -> memref<16384xf32, #tpu.memory_space<vmem_shared>>
      tpu.enqueue_indirect_dma source(%arg5 : memref<64xf32, #tpu.memory_space<vmem>>) target(%dma_start3A_22 : memref<16384xf32, #tpu.memory_space<vmem_shared>>) offsets(%dma_start3A_20 : memref<64xi32, #tpu.memory_space<vmem>>) semaphore(%run_scoped3A_18 : memref<!tpu.dma_semaphore, #tpu.memory_space<semaphore_mem>>) {add = true}
      %dma_wait3A = arith.constant 0 : i32
      %dma_wait3A_23 = tpu.memref_slice %arg4[%run_scoped3A, %dma_wait3A] : memref<1x64xi32, #tpu.memory_space<vmem>> -> memref<1x64xi32, #tpu.memory_space<vmem>>
      %dma_wait3A_24 = tpu.memref_squeeze %dma_wait3A_23 : memref<1x64xi32, #tpu.memory_space<vmem>> -> memref<64xi32, #tpu.memory_space<vmem>>
      %dma_wait3A_25 = arith.constant 0 : i32
      %dma_wait3A_26 = tpu.memref_slice %arg8[%dma_wait3A_25] : memref<16384xf32, #tpu.memory_space<vmem_shared>> -> memref<16384xf32, #tpu.memory_space<vmem_shared>>
      tpu.wait_indirect_dma semaphore(%run_scoped3A_18 : memref<!tpu.dma_semaphore, #tpu.memory_space<semaphore_mem>>) src(%arg5 : memref<64xf32, #tpu.memory_space<vmem>>) dst(%dma_wait3A_26 : memref<16384xf32, #tpu.memory_space<vmem_shared>>)
      tpu.yield
    }) : () -> ()
    %barrier3A_12 = arith.constant 0 : index
    tpu.barrier barrier_id(%barrier3A_12)
    "tpu.region"() ({
      %run_scoped3A_18 = tpu.sem_alloc : memref<!tpu.dma_semaphore, #tpu.memory_space<semaphore_mem>>
      %dma_start3A = tpu.memref_slice %arg8[%mul3A_11] : memref<16384xf32, #tpu.memory_space<vmem_shared>> -> memref<1024xf32, #tpu.memory_space<vmem_shared>>
      %dma_start3A_19 = tpu.memref_slice %arg8[%mul3A_11] : memref<16384xf32, #tpu.memory_space<vmem_shared>> -> memref<1024xf32, #tpu.memory_space<vmem_shared>>
      tpu.enqueue_dma source(%dma_start3A_19 : memref<1024xf32, #tpu.memory_space<vmem_shared>>) target(%arg7 : memref<1024xf32, #tpu.memory_space<vmem>>) target_semaphore(%run_scoped3A_18 : memref<!tpu.dma_semaphore, #tpu.memory_space<semaphore_mem>>)
      %dma_wait3A = tpu.memref_slice %arg8[%mul3A_11] : memref<16384xf32, #tpu.memory_space<vmem_shared>> -> memref<1024xf32, #tpu.memory_space<vmem_shared>>
      %dma_wait3A_20 = tpu.memref_slice %arg8[%mul3A_11] : memref<16384xf32, #tpu.memory_space<vmem_shared>> -> memref<1024xf32, #tpu.memory_space<vmem_shared>>
      tpu.wait_dma2 semaphore(%run_scoped3A_18 : memref<!tpu.dma_semaphore, #tpu.memory_space<semaphore_mem>>) src(%dma_wait3A_20 : memref<1024xf32, #tpu.memory_space<vmem_shared>>) dst(%arg7 : memref<1024xf32, #tpu.memory_space<vmem>>)
      tpu.yield
    }) : () -> ()
    %mul3A_13 = arith.constant 16384 : i32
    %mul3A_14 = arith.muli %arg0, %mul3A_13 : i32
    %mul3A_15 = arith.constant 1024 : i32
    %mul3A_16 = arith.muli %arg1, %mul3A_15 : i32
    %add3A_17 = arith.addi %mul3A_14, %mul3A_16 : i32
    "tpu.region"() ({
      %run_scoped3A_18 = tpu.sem_alloc : memref<!tpu.dma_semaphore, #tpu.memory_space<semaphore_mem>>
      %dma_start3A = tpu.memref_slice %arg3[%add3A_17] : memref<32768xf32, #tpu.memory_space<hbm>> -> memref<1024xf32, #tpu.memory_space<hbm>>
      %dma_start3A_19 = tpu.memref_slice %arg3[%add3A_17] : memref<32768xf32, #tpu.memory_space<hbm>> -> memref<1024xf32, #tpu.memory_space<hbm>>
      tpu.enqueue_dma source(%arg7 : memref<1024xf32, #tpu.memory_space<vmem>>) target(%dma_start3A_19 : memref<1024xf32, #tpu.memory_space<hbm>>) target_semaphore(%run_scoped3A_18 : memref<!tpu.dma_semaphore, #tpu.memory_space<semaphore_mem>>)
      %dma_wait3A = tpu.memref_slice %arg3[%add3A_17] : memref<32768xf32, #tpu.memory_space<hbm>> -> memref<1024xf32, #tpu.memory_space<hbm>>
      %dma_wait3A_20 = tpu.memref_slice %arg3[%add3A_17] : memref<32768xf32, #tpu.memory_space<hbm>> -> memref<1024xf32, #tpu.memory_space<hbm>>
      tpu.wait_dma2 semaphore(%run_scoped3A_18 : memref<!tpu.dma_semaphore, #tpu.memory_space<semaphore_mem>>) src(%arg7 : memref<1024xf32, #tpu.memory_space<vmem>>) dst(%dma_wait3A_20 : memref<1024xf32, #tpu.memory_space<hbm>>)
      tpu.yield
    }) : () -> ()
    return
  }
}

module attributes {stable_mosaic.version = 14 : i64} {
  func.func @_gcn_body(%arg0: i32, %arg1: memref<2x68x80xf32, #tpu.memory_space<vmem>>, %arg2: memref<128x256xf32, #tpu.memory_space<vmem>>, %arg3: memref<1x256xf32, #tpu.memory_space<vmem>>, %arg4: memref<256x256xf32, #tpu.memory_space<vmem>>, %arg5: memref<1x256xf32, #tpu.memory_space<vmem>>, %arg6: memref<256x256xf32, #tpu.memory_space<vmem>>, %arg7: memref<1x256xf32, #tpu.memory_space<vmem>>, %arg8: memref<16x4x68x128xf32, #tpu.memory_space<vmem>>, %arg9: memref<1x1x16384xf32, #tpu.memory_space<vmem>>) attributes {dimension_semantics = [#tpu.dimension_semantics<arbitrary>], iteration_bounds = array<i64: 8>, scalar_prefetch = 0 : i64, scratch_operands = 0 : i64, tpu.core_type = #tpu.core_type<tc>, window_params = [{pipeline_mode = #tpu.pipeline_mode<synchronous>, transform_indices = @transform_0, window_bounds = array<i64: 2, 68, 80>}, {pipeline_mode = #tpu.pipeline_mode<synchronous>, transform_indices = @transform_1, window_bounds = array<i64: 128, 256>}, {pipeline_mode = #tpu.pipeline_mode<synchronous>, transform_indices = @transform_2, window_bounds = array<i64: 1, 256>}, {pipeline_mode = #tpu.pipeline_mode<synchronous>, transform_indices = @transform_3, window_bounds = array<i64: 256, 256>}, {pipeline_mode = #tpu.pipeline_mode<synchronous>, transform_indices = @transform_4, window_bounds = array<i64: 1, 256>}, {pipeline_mode = #tpu.pipeline_mode<synchronous>, transform_indices = @transform_5, window_bounds = array<i64: 256, 256>}, {pipeline_mode = #tpu.pipeline_mode<synchronous>, transform_indices = @transform_6, window_bounds = array<i64: 1, 256>}, {transform_indices = @transform_7, window_bounds = array<i64: 16, 4, 68, 128>}, {transform_indices = @transform_8, window_bounds = array<i64: 1, 1, 16384>}]} {
    %get3A = arith.constant 0 : index
    %get3A_0 = arith.constant 0 : index
    %get3A_1 = arith.constant 0 : index
    %get3A_2 = vector.load %arg1[%get3A, %get3A_0, %get3A_1] : memref<2x68x80xf32, #tpu.memory_space<vmem>>, vector<1x68x68xf32>
    %get3A_3 = vector.shape_cast %get3A_2 : vector<1x68x68xf32> to vector<68x68xf32>
    %get3A_4 = arith.constant 1 : index
    %get3A_5 = arith.constant 0 : index
    %get3A_6 = arith.constant 0 : index
    %get3A_7 = vector.load %arg1[%get3A_4, %get3A_5, %get3A_6] : memref<2x68x80xf32, #tpu.memory_space<vmem>>, vector<1x68x68xf32>
    %get3A_8 = vector.shape_cast %get3A_7 : vector<1x68x68xf32> to vector<68x68xf32>
    %reduce_sum3A = arith.constant dense<0.000000e+00> : vector<68xf32>
    %reduce_sum3A_9 = vector.multi_reduction <add>, %get3A_3, %reduce_sum3A [1] : vector<68x68xf32> to vector<68xf32>
    %broadcast_in_dim3A = vector.shape_cast %reduce_sum3A_9 : vector<68xf32> to vector<68x1xf32>
    %add3A = arith.constant 1.000000e+00 : f32
    %add3A_10 = vector.broadcast %add3A : f32 to vector<68x1xf32>
    %add3A_11 = arith.addf %broadcast_in_dim3A, %add3A_10 : vector<68x1xf32>
    %reduce_sum3A_12 = arith.constant dense<0.000000e+00> : vector<68xf32>
    %reduce_sum3A_13 = vector.multi_reduction <add>, %get3A_8, %reduce_sum3A_12 [0] : vector<68x68xf32> to vector<68xf32>
    %broadcast_in_dim3A_14 = vector.shape_cast %reduce_sum3A_13 : vector<68xf32> to vector<1x68xf32>
    %add3A_15 = arith.constant 1.000000e+00 : f32
    %add3A_16 = vector.broadcast %add3A_15 : f32 to vector<1x68xf32>
    %add3A_17 = arith.addf %broadcast_in_dim3A_14, %add3A_16 : vector<1x68xf32>
    %iota3A = tpu.iota {dimensions = array<i32: 0>} : vector<68x68xi32>
    %iota3A_18 = tpu.iota {dimensions = array<i32: 1>} : vector<68x68xi32>
    %eq3A = arith.cmpi eq, %iota3A, %iota3A_18 : vector<68x68xi32>
    %convert_element_type3A = arith.extui %eq3A : vector<68x68xi1> to vector<68x68xi32>
    %convert_element_type3A_19 = arith.sitofp %convert_element_type3A : vector<68x68xi32> to vector<68x68xf32>
    %add3A_20 = arith.addf %get3A_3, %convert_element_type3A_19 : vector<68x68xf32>
    %rsqrt3A = math.rsqrt %add3A_11 : vector<68x1xf32>
    %mul3A = vector.broadcast %rsqrt3A : vector<68x1xf32> to vector<68x68xf32>
    %mul3A_21 = arith.mulf %add3A_20, %mul3A : vector<68x68xf32>
    %rsqrt3A_22 = math.rsqrt %add3A_17 : vector<1x68xf32>
    %mul3A_23 = vector.broadcast %rsqrt3A_22 : vector<1x68xf32> to vector<68x68xf32>
    %mul3A_24 = arith.mulf %mul3A_21, %mul3A_23 : vector<68x68xf32>
    %get3A_25 = arith.constant 0 : index
    %get3A_26 = arith.constant 0 : index
    %get3A_27 = arith.constant 0 : index
    %get3A_28 = arith.constant 0 : index
    %get3A_29 = vector.load %arg8[%get3A_25, %get3A_26, %get3A_27, %get3A_28] : memref<16x4x68x128xf32, #tpu.memory_space<vmem>>, vector<1x1x68x128xf32>
    %get3A_30 = vector.shape_cast %get3A_29 : vector<1x1x68x128xf32> to vector<68x128xf32>
    %get3A_31 = arith.constant 1 : index
    %get3A_32 = arith.constant 0 : index
    %get3A_33 = arith.constant 0 : index
    %get3A_34 = arith.constant 0 : index
    %get3A_35 = vector.load %arg8[%get3A_31, %get3A_32, %get3A_33, %get3A_34] : memref<16x4x68x128xf32, #tpu.memory_space<vmem>>, vector<1x1x68x128xf32>
    %get3A_36 = vector.shape_cast %get3A_35 : vector<1x1x68x128xf32> to vector<68x128xf32>
    %get3A_37 = arith.constant 2 : index
    %get3A_38 = arith.constant 0 : index
    %get3A_39 = arith.constant 0 : index
    %get3A_40 = arith.constant 0 : index
    %get3A_41 = vector.load %arg8[%get3A_37, %get3A_38, %get3A_39, %get3A_40] : memref<16x4x68x128xf32, #tpu.memory_space<vmem>>, vector<1x1x68x128xf32>
    %get3A_42 = vector.shape_cast %get3A_41 : vector<1x1x68x128xf32> to vector<68x128xf32>
    %get3A_43 = arith.constant 3 : index
    %get3A_44 = arith.constant 0 : index
    %get3A_45 = arith.constant 0 : index
    %get3A_46 = arith.constant 0 : index
    %get3A_47 = vector.load %arg8[%get3A_43, %get3A_44, %get3A_45, %get3A_46] : memref<16x4x68x128xf32, #tpu.memory_space<vmem>>, vector<1x1x68x128xf32>
    %get3A_48 = vector.shape_cast %get3A_47 : vector<1x1x68x128xf32> to vector<68x128xf32>
    %get3A_49 = arith.constant 4 : index
    %get3A_50 = arith.constant 0 : index
    %get3A_51 = arith.constant 0 : index
    %get3A_52 = arith.constant 0 : index
    %get3A_53 = vector.load %arg8[%get3A_49, %get3A_50, %get3A_51, %get3A_52] : memref<16x4x68x128xf32, #tpu.memory_space<vmem>>, vector<1x1x68x128xf32>
    %get3A_54 = vector.shape_cast %get3A_53 : vector<1x1x68x128xf32> to vector<68x128xf32>
    %get3A_55 = arith.constant 5 : index
    %get3A_56 = arith.constant 0 : index
    %get3A_57 = arith.constant 0 : index
    %get3A_58 = arith.constant 0 : index
    %get3A_59 = vector.load %arg8[%get3A_55, %get3A_56, %get3A_57, %get3A_58] : memref<16x4x68x128xf32, #tpu.memory_space<vmem>>, vector<1x1x68x128xf32>
    %get3A_60 = vector.shape_cast %get3A_59 : vector<1x1x68x128xf32> to vector<68x128xf32>
    %get3A_61 = arith.constant 6 : index
    %get3A_62 = arith.constant 0 : index
    %get3A_63 = arith.constant 0 : index
    %get3A_64 = arith.constant 0 : index
    %get3A_65 = vector.load %arg8[%get3A_61, %get3A_62, %get3A_63, %get3A_64] : memref<16x4x68x128xf32, #tpu.memory_space<vmem>>, vector<1x1x68x128xf32>
    %get3A_66 = vector.shape_cast %get3A_65 : vector<1x1x68x128xf32> to vector<68x128xf32>
    %get3A_67 = arith.constant 7 : index
    %get3A_68 = arith.constant 0 : index
    %get3A_69 = arith.constant 0 : index
    %get3A_70 = arith.constant 0 : index
    %get3A_71 = vector.load %arg8[%get3A_67, %get3A_68, %get3A_69, %get3A_70] : memref<16x4x68x128xf32, #tpu.memory_space<vmem>>, vector<1x1x68x128xf32>
    %get3A_72 = vector.shape_cast %get3A_71 : vector<1x1x68x128xf32> to vector<68x128xf32>
    %get3A_73 = arith.constant 8 : index
    %get3A_74 = arith.constant 0 : index
    %get3A_75 = arith.constant 0 : index
    %get3A_76 = arith.constant 0 : index
    %get3A_77 = vector.load %arg8[%get3A_73, %get3A_74, %get3A_75, %get3A_76] : memref<16x4x68x128xf32, #tpu.memory_space<vmem>>, vector<1x1x68x128xf32>
    %get3A_78 = vector.shape_cast %get3A_77 : vector<1x1x68x128xf32> to vector<68x128xf32>
    %get3A_79 = arith.constant 9 : index
    %get3A_80 = arith.constant 0 : index
    %get3A_81 = arith.constant 0 : index
    %get3A_82 = arith.constant 0 : index
    %get3A_83 = vector.load %arg8[%get3A_79, %get3A_80, %get3A_81, %get3A_82] : memref<16x4x68x128xf32, #tpu.memory_space<vmem>>, vector<1x1x68x128xf32>
    %get3A_84 = vector.shape_cast %get3A_83 : vector<1x1x68x128xf32> to vector<68x128xf32>
    %get3A_85 = arith.constant 10 : index
    %get3A_86 = arith.constant 0 : index
    %get3A_87 = arith.constant 0 : index
    %get3A_88 = arith.constant 0 : index
    %get3A_89 = vector.load %arg8[%get3A_85, %get3A_86, %get3A_87, %get3A_88] : memref<16x4x68x128xf32, #tpu.memory_space<vmem>>, vector<1x1x68x128xf32>
    %get3A_90 = vector.shape_cast %get3A_89 : vector<1x1x68x128xf32> to vector<68x128xf32>
    %get3A_91 = arith.constant 11 : index
    %get3A_92 = arith.constant 0 : index
    %get3A_93 = arith.constant 0 : index
    %get3A_94 = arith.constant 0 : index
    %get3A_95 = vector.load %arg8[%get3A_91, %get3A_92, %get3A_93, %get3A_94] : memref<16x4x68x128xf32, #tpu.memory_space<vmem>>, vector<1x1x68x128xf32>
    %get3A_96 = vector.shape_cast %get3A_95 : vector<1x1x68x128xf32> to vector<68x128xf32>
    %get3A_97 = arith.constant 12 : index
    %get3A_98 = arith.constant 0 : index
    %get3A_99 = arith.constant 0 : index
    %get3A_100 = arith.constant 0 : index
    %get3A_101 = vector.load %arg8[%get3A_97, %get3A_98, %get3A_99, %get3A_100] : memref<16x4x68x128xf32, #tpu.memory_space<vmem>>, vector<1x1x68x128xf32>
    %get3A_102 = vector.shape_cast %get3A_101 : vector<1x1x68x128xf32> to vector<68x128xf32>
    %get3A_103 = arith.constant 13 : index
    %get3A_104 = arith.constant 0 : index
    %get3A_105 = arith.constant 0 : index
    %get3A_106 = arith.constant 0 : index
    %get3A_107 = vector.load %arg8[%get3A_103, %get3A_104, %get3A_105, %get3A_106] : memref<16x4x68x128xf32, #tpu.memory_space<vmem>>, vector<1x1x68x128xf32>
    %get3A_108 = vector.shape_cast %get3A_107 : vector<1x1x68x128xf32> to vector<68x128xf32>
    %get3A_109 = arith.constant 14 : index
    %get3A_110 = arith.constant 0 : index
    %get3A_111 = arith.constant 0 : index
    %get3A_112 = arith.constant 0 : index
    %get3A_113 = vector.load %arg8[%get3A_109, %get3A_110, %get3A_111, %get3A_112] : memref<16x4x68x128xf32, #tpu.memory_space<vmem>>, vector<1x1x68x128xf32>
    %get3A_114 = vector.shape_cast %get3A_113 : vector<1x1x68x128xf32> to vector<68x128xf32>
    %get3A_115 = arith.constant 15 : index
    %get3A_116 = arith.constant 0 : index
    %get3A_117 = arith.constant 0 : index
    %get3A_118 = arith.constant 0 : index
    %get3A_119 = vector.load %arg8[%get3A_115, %get3A_116, %get3A_117, %get3A_118] : memref<16x4x68x128xf32, #tpu.memory_space<vmem>>, vector<1x1x68x128xf32>
    %get3A_120 = vector.shape_cast %get3A_119 : vector<1x1x68x128xf32> to vector<68x128xf32>
    %get3A_121 = arith.constant 0 : index
    %get3A_122 = arith.constant 1 : index
    %get3A_123 = arith.constant 0 : index
    %get3A_124 = arith.constant 0 : index
    %get3A_125 = vector.load %arg8[%get3A_121, %get3A_122, %get3A_123, %get3A_124] : memref<16x4x68x128xf32, #tpu.memory_space<vmem>>, vector<1x1x68x128xf32>
    %get3A_126 = vector.shape_cast %get3A_125 : vector<1x1x68x128xf32> to vector<68x128xf32>
    %get3A_127 = arith.constant 1 : index
    %get3A_128 = arith.constant 1 : index
    %get3A_129 = arith.constant 0 : index
    %get3A_130 = arith.constant 0 : index
    %get3A_131 = vector.load %arg8[%get3A_127, %get3A_128, %get3A_129, %get3A_130] : memref<16x4x68x128xf32, #tpu.memory_space<vmem>>, vector<1x1x68x128xf32>
    %get3A_132 = vector.shape_cast %get3A_131 : vector<1x1x68x128xf32> to vector<68x128xf32>
    %get3A_133 = arith.constant 2 : index
    %get3A_134 = arith.constant 1 : index
    %get3A_135 = arith.constant 0 : index
    %get3A_136 = arith.constant 0 : index
    %get3A_137 = vector.load %arg8[%get3A_133, %get3A_134, %get3A_135, %get3A_136] : memref<16x4x68x128xf32, #tpu.memory_space<vmem>>, vector<1x1x68x128xf32>
    %get3A_138 = vector.shape_cast %get3A_137 : vector<1x1x68x128xf32> to vector<68x128xf32>
    %get3A_139 = arith.constant 3 : index
    %get3A_140 = arith.constant 1 : index
    %get3A_141 = arith.constant 0 : index
    %get3A_142 = arith.constant 0 : index
    %get3A_143 = vector.load %arg8[%get3A_139, %get3A_140, %get3A_141, %get3A_142] : memref<16x4x68x128xf32, #tpu.memory_space<vmem>>, vector<1x1x68x128xf32>
    %get3A_144 = vector.shape_cast %get3A_143 : vector<1x1x68x128xf32> to vector<68x128xf32>
    %get3A_145 = arith.constant 4 : index
    %get3A_146 = arith.constant 1 : index
    %get3A_147 = arith.constant 0 : index
    %get3A_148 = arith.constant 0 : index
    %get3A_149 = vector.load %arg8[%get3A_145, %get3A_146, %get3A_147, %get3A_148] : memref<16x4x68x128xf32, #tpu.memory_space<vmem>>, vector<1x1x68x128xf32>
    %get3A_150 = vector.shape_cast %get3A_149 : vector<1x1x68x128xf32> to vector<68x128xf32>
    %get3A_151 = arith.constant 5 : index
    %get3A_152 = arith.constant 1 : index
    %get3A_153 = arith.constant 0 : index
    %get3A_154 = arith.constant 0 : index
    %get3A_155 = vector.load %arg8[%get3A_151, %get3A_152, %get3A_153, %get3A_154] : memref<16x4x68x128xf32, #tpu.memory_space<vmem>>, vector<1x1x68x128xf32>
    %get3A_156 = vector.shape_cast %get3A_155 : vector<1x1x68x128xf32> to vector<68x128xf32>
    %get3A_157 = arith.constant 6 : index
    %get3A_158 = arith.constant 1 : index
    %get3A_159 = arith.constant 0 : index
    %get3A_160 = arith.constant 0 : index
    %get3A_161 = vector.load %arg8[%get3A_157, %get3A_158, %get3A_159, %get3A_160] : memref<16x4x68x128xf32, #tpu.memory_space<vmem>>, vector<1x1x68x128xf32>
    %get3A_162 = vector.shape_cast %get3A_161 : vector<1x1x68x128xf32> to vector<68x128xf32>
    %get3A_163 = arith.constant 7 : index
    %get3A_164 = arith.constant 1 : index
    %get3A_165 = arith.constant 0 : index
    %get3A_166 = arith.constant 0 : index
    %get3A_167 = vector.load %arg8[%get3A_163, %get3A_164, %get3A_165, %get3A_166] : memref<16x4x68x128xf32, #tpu.memory_space<vmem>>, vector<1x1x68x128xf32>
    %get3A_168 = vector.shape_cast %get3A_167 : vector<1x1x68x128xf32> to vector<68x128xf32>
    %get3A_169 = arith.constant 8 : index
    %get3A_170 = arith.constant 1 : index
    %get3A_171 = arith.constant 0 : index
    %get3A_172 = arith.constant 0 : index
    %get3A_173 = vector.load %arg8[%get3A_169, %get3A_170, %get3A_171, %get3A_172] : memref<16x4x68x128xf32, #tpu.memory_space<vmem>>, vector<1x1x68x128xf32>
    %get3A_174 = vector.shape_cast %get3A_173 : vector<1x1x68x128xf32> to vector<68x128xf32>
    %get3A_175 = arith.constant 9 : index
    %get3A_176 = arith.constant 1 : index
    %get3A_177 = arith.constant 0 : index
    %get3A_178 = arith.constant 0 : index
    %get3A_179 = vector.load %arg8[%get3A_175, %get3A_176, %get3A_177, %get3A_178] : memref<16x4x68x128xf32, #tpu.memory_space<vmem>>, vector<1x1x68x128xf32>
    %get3A_180 = vector.shape_cast %get3A_179 : vector<1x1x68x128xf32> to vector<68x128xf32>
    %get3A_181 = arith.constant 10 : index
    %get3A_182 = arith.constant 1 : index
    %get3A_183 = arith.constant 0 : index
    %get3A_184 = arith.constant 0 : index
    %get3A_185 = vector.load %arg8[%get3A_181, %get3A_182, %get3A_183, %get3A_184] : memref<16x4x68x128xf32, #tpu.memory_space<vmem>>, vector<1x1x68x128xf32>
    %get3A_186 = vector.shape_cast %get3A_185 : vector<1x1x68x128xf32> to vector<68x128xf32>
    %get3A_187 = arith.constant 11 : index
    %get3A_188 = arith.constant 1 : index
    %get3A_189 = arith.constant 0 : index
    %get3A_190 = arith.constant 0 : index
    %get3A_191 = vector.load %arg8[%get3A_187, %get3A_188, %get3A_189, %get3A_190] : memref<16x4x68x128xf32, #tpu.memory_space<vmem>>, vector<1x1x68x128xf32>
    %get3A_192 = vector.shape_cast %get3A_191 : vector<1x1x68x128xf32> to vector<68x128xf32>
    %get3A_193 = arith.constant 12 : index
    %get3A_194 = arith.constant 1 : index
    %get3A_195 = arith.constant 0 : index
    %get3A_196 = arith.constant 0 : index
    %get3A_197 = vector.load %arg8[%get3A_193, %get3A_194, %get3A_195, %get3A_196] : memref<16x4x68x128xf32, #tpu.memory_space<vmem>>, vector<1x1x68x128xf32>
    %get3A_198 = vector.shape_cast %get3A_197 : vector<1x1x68x128xf32> to vector<68x128xf32>
    %get3A_199 = arith.constant 13 : index
    %get3A_200 = arith.constant 1 : index
    %get3A_201 = arith.constant 0 : index
    %get3A_202 = arith.constant 0 : index
    %get3A_203 = vector.load %arg8[%get3A_199, %get3A_200, %get3A_201, %get3A_202] : memref<16x4x68x128xf32, #tpu.memory_space<vmem>>, vector<1x1x68x128xf32>
    %get3A_204 = vector.shape_cast %get3A_203 : vector<1x1x68x128xf32> to vector<68x128xf32>
    %get3A_205 = arith.constant 14 : index
    %get3A_206 = arith.constant 1 : index
    %get3A_207 = arith.constant 0 : index
    %get3A_208 = arith.constant 0 : index
    %get3A_209 = vector.load %arg8[%get3A_205, %get3A_206, %get3A_207, %get3A_208] : memref<16x4x68x128xf32, #tpu.memory_space<vmem>>, vector<1x1x68x128xf32>
    %get3A_210 = vector.shape_cast %get3A_209 : vector<1x1x68x128xf32> to vector<68x128xf32>
    %get3A_211 = arith.constant 15 : index
    %get3A_212 = arith.constant 1 : index
    %get3A_213 = arith.constant 0 : index
    %get3A_214 = arith.constant 0 : index
    %get3A_215 = vector.load %arg8[%get3A_211, %get3A_212, %get3A_213, %get3A_214] : memref<16x4x68x128xf32, #tpu.memory_space<vmem>>, vector<1x1x68x128xf32>
    %get3A_216 = vector.shape_cast %get3A_215 : vector<1x1x68x128xf32> to vector<68x128xf32>
    %get3A_217 = arith.constant 0 : index
    %get3A_218 = arith.constant 2 : index
    %get3A_219 = arith.constant 0 : index
    %get3A_220 = arith.constant 0 : index
    %get3A_221 = vector.load %arg8[%get3A_217, %get3A_218, %get3A_219, %get3A_220] : memref<16x4x68x128xf32, #tpu.memory_space<vmem>>, vector<1x1x68x128xf32>
    %get3A_222 = vector.shape_cast %get3A_221 : vector<1x1x68x128xf32> to vector<68x128xf32>
    %get3A_223 = arith.constant 1 : index
    %get3A_224 = arith.constant 2 : index
    %get3A_225 = arith.constant 0 : index
    %get3A_226 = arith.constant 0 : index
    %get3A_227 = vector.load %arg8[%get3A_223, %get3A_224, %get3A_225, %get3A_226] : memref<16x4x68x128xf32, #tpu.memory_space<vmem>>, vector<1x1x68x128xf32>
    %get3A_228 = vector.shape_cast %get3A_227 : vector<1x1x68x128xf32> to vector<68x128xf32>
    %get3A_229 = arith.constant 2 : index
    %get3A_230 = arith.constant 2 : index
    %get3A_231 = arith.constant 0 : index
    %get3A_232 = arith.constant 0 : index
    %get3A_233 = vector.load %arg8[%get3A_229, %get3A_230, %get3A_231, %get3A_232] : memref<16x4x68x128xf32, #tpu.memory_space<vmem>>, vector<1x1x68x128xf32>
    %get3A_234 = vector.shape_cast %get3A_233 : vector<1x1x68x128xf32> to vector<68x128xf32>
    %get3A_235 = arith.constant 3 : index
    %get3A_236 = arith.constant 2 : index
    %get3A_237 = arith.constant 0 : index
    %get3A_238 = arith.constant 0 : index
    %get3A_239 = vector.load %arg8[%get3A_235, %get3A_236, %get3A_237, %get3A_238] : memref<16x4x68x128xf32, #tpu.memory_space<vmem>>, vector<1x1x68x128xf32>
    %get3A_240 = vector.shape_cast %get3A_239 : vector<1x1x68x128xf32> to vector<68x128xf32>
    %get3A_241 = arith.constant 4 : index
    %get3A_242 = arith.constant 2 : index
    %get3A_243 = arith.constant 0 : index
    %get3A_244 = arith.constant 0 : index
    %get3A_245 = vector.load %arg8[%get3A_241, %get3A_242, %get3A_243, %get3A_244] : memref<16x4x68x128xf32, #tpu.memory_space<vmem>>, vector<1x1x68x128xf32>
    %get3A_246 = vector.shape_cast %get3A_245 : vector<1x1x68x128xf32> to vector<68x128xf32>
    %get3A_247 = arith.constant 5 : index
    %get3A_248 = arith.constant 2 : index
    %get3A_249 = arith.constant 0 : index
    %get3A_250 = arith.constant 0 : index
    %get3A_251 = vector.load %arg8[%get3A_247, %get3A_248, %get3A_249, %get3A_250] : memref<16x4x68x128xf32, #tpu.memory_space<vmem>>, vector<1x1x68x128xf32>
    %get3A_252 = vector.shape_cast %get3A_251 : vector<1x1x68x128xf32> to vector<68x128xf32>
    %get3A_253 = arith.constant 6 : index
    %get3A_254 = arith.constant 2 : index
    %get3A_255 = arith.constant 0 : index
    %get3A_256 = arith.constant 0 : index
    %get3A_257 = vector.load %arg8[%get3A_253, %get3A_254, %get3A_255, %get3A_256] : memref<16x4x68x128xf32, #tpu.memory_space<vmem>>, vector<1x1x68x128xf32>
    %get3A_258 = vector.shape_cast %get3A_257 : vector<1x1x68x128xf32> to vector<68x128xf32>
    %get3A_259 = arith.constant 7 : index
    %get3A_260 = arith.constant 2 : index
    %get3A_261 = arith.constant 0 : index
    %get3A_262 = arith.constant 0 : index
    %get3A_263 = vector.load %arg8[%get3A_259, %get3A_260, %get3A_261, %get3A_262] : memref<16x4x68x128xf32, #tpu.memory_space<vmem>>, vector<1x1x68x128xf32>
    %get3A_264 = vector.shape_cast %get3A_263 : vector<1x1x68x128xf32> to vector<68x128xf32>
    %get3A_265 = arith.constant 8 : index
    %get3A_266 = arith.constant 2 : index
    %get3A_267 = arith.constant 0 : index
    %get3A_268 = arith.constant 0 : index
    %get3A_269 = vector.load %arg8[%get3A_265, %get3A_266, %get3A_267, %get3A_268] : memref<16x4x68x128xf32, #tpu.memory_space<vmem>>, vector<1x1x68x128xf32>
    %get3A_270 = vector.shape_cast %get3A_269 : vector<1x1x68x128xf32> to vector<68x128xf32>
    %get3A_271 = arith.constant 9 : index
    %get3A_272 = arith.constant 2 : index
    %get3A_273 = arith.constant 0 : index
    %get3A_274 = arith.constant 0 : index
    %get3A_275 = vector.load %arg8[%get3A_271, %get3A_272, %get3A_273, %get3A_274] : memref<16x4x68x128xf32, #tpu.memory_space<vmem>>, vector<1x1x68x128xf32>
    %get3A_276 = vector.shape_cast %get3A_275 : vector<1x1x68x128xf32> to vector<68x128xf32>
    %get3A_277 = arith.constant 10 : index
    %get3A_278 = arith.constant 2 : index
    %get3A_279 = arith.constant 0 : index
    %get3A_280 = arith.constant 0 : index
    %get3A_281 = vector.load %arg8[%get3A_277, %get3A_278, %get3A_279, %get3A_280] : memref<16x4x68x128xf32, #tpu.memory_space<vmem>>, vector<1x1x68x128xf32>
    %get3A_282 = vector.shape_cast %get3A_281 : vector<1x1x68x128xf32> to vector<68x128xf32>
    %get3A_283 = arith.constant 11 : index
    %get3A_284 = arith.constant 2 : index
    %get3A_285 = arith.constant 0 : index
    %get3A_286 = arith.constant 0 : index
    %get3A_287 = vector.load %arg8[%get3A_283, %get3A_284, %get3A_285, %get3A_286] : memref<16x4x68x128xf32, #tpu.memory_space<vmem>>, vector<1x1x68x128xf32>
    %get3A_288 = vector.shape_cast %get3A_287 : vector<1x1x68x128xf32> to vector<68x128xf32>
    %get3A_289 = arith.constant 12 : index
    %get3A_290 = arith.constant 2 : index
    %get3A_291 = arith.constant 0 : index
    %get3A_292 = arith.constant 0 : index
    %get3A_293 = vector.load %arg8[%get3A_289, %get3A_290, %get3A_291, %get3A_292] : memref<16x4x68x128xf32, #tpu.memory_space<vmem>>, vector<1x1x68x128xf32>
    %get3A_294 = vector.shape_cast %get3A_293 : vector<1x1x68x128xf32> to vector<68x128xf32>
    %get3A_295 = arith.constant 13 : index
    %get3A_296 = arith.constant 2 : index
    %get3A_297 = arith.constant 0 : index
    %get3A_298 = arith.constant 0 : index
    %get3A_299 = vector.load %arg8[%get3A_295, %get3A_296, %get3A_297, %get3A_298] : memref<16x4x68x128xf32, #tpu.memory_space<vmem>>, vector<1x1x68x128xf32>
    %get3A_300 = vector.shape_cast %get3A_299 : vector<1x1x68x128xf32> to vector<68x128xf32>
    %get3A_301 = arith.constant 14 : index
    %get3A_302 = arith.constant 2 : index
    %get3A_303 = arith.constant 0 : index
    %get3A_304 = arith.constant 0 : index
    %get3A_305 = vector.load %arg8[%get3A_301, %get3A_302, %get3A_303, %get3A_304] : memref<16x4x68x128xf32, #tpu.memory_space<vmem>>, vector<1x1x68x128xf32>
    %get3A_306 = vector.shape_cast %get3A_305 : vector<1x1x68x128xf32> to vector<68x128xf32>
    %get3A_307 = arith.constant 15 : index
    %get3A_308 = arith.constant 2 : index
    %get3A_309 = arith.constant 0 : index
    %get3A_310 = arith.constant 0 : index
    %get3A_311 = vector.load %arg8[%get3A_307, %get3A_308, %get3A_309, %get3A_310] : memref<16x4x68x128xf32, #tpu.memory_space<vmem>>, vector<1x1x68x128xf32>
    %get3A_312 = vector.shape_cast %get3A_311 : vector<1x1x68x128xf32> to vector<68x128xf32>
    %get3A_313 = arith.constant 0 : index
    %get3A_314 = arith.constant 3 : index
    %get3A_315 = arith.constant 0 : index
    %get3A_316 = arith.constant 0 : index
    %get3A_317 = vector.load %arg8[%get3A_313, %get3A_314, %get3A_315, %get3A_316] : memref<16x4x68x128xf32, #tpu.memory_space<vmem>>, vector<1x1x68x128xf32>
    %get3A_318 = vector.shape_cast %get3A_317 : vector<1x1x68x128xf32> to vector<68x128xf32>
    %get3A_319 = arith.constant 1 : index
    %get3A_320 = arith.constant 3 : index
    %get3A_321 = arith.constant 0 : index
    %get3A_322 = arith.constant 0 : index
    %get3A_323 = vector.load %arg8[%get3A_319, %get3A_320, %get3A_321, %get3A_322] : memref<16x4x68x128xf32, #tpu.memory_space<vmem>>, vector<1x1x68x128xf32>
    %get3A_324 = vector.shape_cast %get3A_323 : vector<1x1x68x128xf32> to vector<68x128xf32>
    %get3A_325 = arith.constant 2 : index
    %get3A_326 = arith.constant 3 : index
    %get3A_327 = arith.constant 0 : index
    %get3A_328 = arith.constant 0 : index
    %get3A_329 = vector.load %arg8[%get3A_325, %get3A_326, %get3A_327, %get3A_328] : memref<16x4x68x128xf32, #tpu.memory_space<vmem>>, vector<1x1x68x128xf32>
    %get3A_330 = vector.shape_cast %get3A_329 : vector<1x1x68x128xf32> to vector<68x128xf32>
    %get3A_331 = arith.constant 3 : index
    %get3A_332 = arith.constant 3 : index
    %get3A_333 = arith.constant 0 : index
    %get3A_334 = arith.constant 0 : index
    %get3A_335 = vector.load %arg8[%get3A_331, %get3A_332, %get3A_333, %get3A_334] : memref<16x4x68x128xf32, #tpu.memory_space<vmem>>, vector<1x1x68x128xf32>
    %get3A_336 = vector.shape_cast %get3A_335 : vector<1x1x68x128xf32> to vector<68x128xf32>
    %get3A_337 = arith.constant 4 : index
    %get3A_338 = arith.constant 3 : index
    %get3A_339 = arith.constant 0 : index
    %get3A_340 = arith.constant 0 : index
    %get3A_341 = vector.load %arg8[%get3A_337, %get3A_338, %get3A_339, %get3A_340] : memref<16x4x68x128xf32, #tpu.memory_space<vmem>>, vector<1x1x68x128xf32>
    %get3A_342 = vector.shape_cast %get3A_341 : vector<1x1x68x128xf32> to vector<68x128xf32>
    %get3A_343 = arith.constant 5 : index
    %get3A_344 = arith.constant 3 : index
    %get3A_345 = arith.constant 0 : index
    %get3A_346 = arith.constant 0 : index
    %get3A_347 = vector.load %arg8[%get3A_343, %get3A_344, %get3A_345, %get3A_346] : memref<16x4x68x128xf32, #tpu.memory_space<vmem>>, vector<1x1x68x128xf32>
    %get3A_348 = vector.shape_cast %get3A_347 : vector<1x1x68x128xf32> to vector<68x128xf32>
    %get3A_349 = arith.constant 6 : index
    %get3A_350 = arith.constant 3 : index
    %get3A_351 = arith.constant 0 : index
    %get3A_352 = arith.constant 0 : index
    %get3A_353 = vector.load %arg8[%get3A_349, %get3A_350, %get3A_351, %get3A_352] : memref<16x4x68x128xf32, #tpu.memory_space<vmem>>, vector<1x1x68x128xf32>
    %get3A_354 = vector.shape_cast %get3A_353 : vector<1x1x68x128xf32> to vector<68x128xf32>
    %get3A_355 = arith.constant 7 : index
    %get3A_356 = arith.constant 3 : index
    %get3A_357 = arith.constant 0 : index
    %get3A_358 = arith.constant 0 : index
    %get3A_359 = vector.load %arg8[%get3A_355, %get3A_356, %get3A_357, %get3A_358] : memref<16x4x68x128xf32, #tpu.memory_space<vmem>>, vector<1x1x68x128xf32>
    %get3A_360 = vector.shape_cast %get3A_359 : vector<1x1x68x128xf32> to vector<68x128xf32>
    %get3A_361 = arith.constant 8 : index
    %get3A_362 = arith.constant 3 : index
    %get3A_363 = arith.constant 0 : index
    %get3A_364 = arith.constant 0 : index
    %get3A_365 = vector.load %arg8[%get3A_361, %get3A_362, %get3A_363, %get3A_364] : memref<16x4x68x128xf32, #tpu.memory_space<vmem>>, vector<1x1x68x128xf32>
    %get3A_366 = vector.shape_cast %get3A_365 : vector<1x1x68x128xf32> to vector<68x128xf32>
    %get3A_367 = arith.constant 9 : index
    %get3A_368 = arith.constant 3 : index
    %get3A_369 = arith.constant 0 : index
    %get3A_370 = arith.constant 0 : index
    %get3A_371 = vector.load %arg8[%get3A_367, %get3A_368, %get3A_369, %get3A_370] : memref<16x4x68x128xf32, #tpu.memory_space<vmem>>, vector<1x1x68x128xf32>
    %get3A_372 = vector.shape_cast %get3A_371 : vector<1x1x68x128xf32> to vector<68x128xf32>
    %get3A_373 = arith.constant 10 : index
    %get3A_374 = arith.constant 3 : index
    %get3A_375 = arith.constant 0 : index
    %get3A_376 = arith.constant 0 : index
    %get3A_377 = vector.load %arg8[%get3A_373, %get3A_374, %get3A_375, %get3A_376] : memref<16x4x68x128xf32, #tpu.memory_space<vmem>>, vector<1x1x68x128xf32>
    %get3A_378 = vector.shape_cast %get3A_377 : vector<1x1x68x128xf32> to vector<68x128xf32>
    %get3A_379 = arith.constant 11 : index
    %get3A_380 = arith.constant 3 : index
    %get3A_381 = arith.constant 0 : index
    %get3A_382 = arith.constant 0 : index
    %get3A_383 = vector.load %arg8[%get3A_379, %get3A_380, %get3A_381, %get3A_382] : memref<16x4x68x128xf32, #tpu.memory_space<vmem>>, vector<1x1x68x128xf32>
    %get3A_384 = vector.shape_cast %get3A_383 : vector<1x1x68x128xf32> to vector<68x128xf32>
    %get3A_385 = arith.constant 12 : index
    %get3A_386 = arith.constant 3 : index
    %get3A_387 = arith.constant 0 : index
    %get3A_388 = arith.constant 0 : index
    %get3A_389 = vector.load %arg8[%get3A_385, %get3A_386, %get3A_387, %get3A_388] : memref<16x4x68x128xf32, #tpu.memory_space<vmem>>, vector<1x1x68x128xf32>
    %get3A_390 = vector.shape_cast %get3A_389 : vector<1x1x68x128xf32> to vector<68x128xf32>
    %get3A_391 = arith.constant 13 : index
    %get3A_392 = arith.constant 3 : index
    %get3A_393 = arith.constant 0 : index
    %get3A_394 = arith.constant 0 : index
    %get3A_395 = vector.load %arg8[%get3A_391, %get3A_392, %get3A_393, %get3A_394] : memref<16x4x68x128xf32, #tpu.memory_space<vmem>>, vector<1x1x68x128xf32>
    %get3A_396 = vector.shape_cast %get3A_395 : vector<1x1x68x128xf32> to vector<68x128xf32>
    %get3A_397 = arith.constant 14 : index
    %get3A_398 = arith.constant 3 : index
    %get3A_399 = arith.constant 0 : index
    %get3A_400 = arith.constant 0 : index
    %get3A_401 = vector.load %arg8[%get3A_397, %get3A_398, %get3A_399, %get3A_400] : memref<16x4x68x128xf32, #tpu.memory_space<vmem>>, vector<1x1x68x128xf32>
    %get3A_402 = vector.shape_cast %get3A_401 : vector<1x1x68x128xf32> to vector<68x128xf32>
    %get3A_403 = arith.constant 15 : index
    %get3A_404 = arith.constant 3 : index
    %get3A_405 = arith.constant 0 : index
    %get3A_406 = arith.constant 0 : index
    %get3A_407 = vector.load %arg8[%get3A_403, %get3A_404, %get3A_405, %get3A_406] : memref<16x4x68x128xf32, #tpu.memory_space<vmem>>, vector<1x1x68x128xf32>
    %get3A_408 = vector.shape_cast %get3A_407 : vector<1x1x68x128xf32> to vector<68x128xf32>
    %concatenate3A = tpu.concatenate %get3A_30, %get3A_36, %get3A_42, %get3A_48, %get3A_54, %get3A_60, %get3A_66, %get3A_72, %get3A_78, %get3A_84, %get3A_90, %get3A_96, %get3A_102, %get3A_108, %get3A_114, %get3A_120, %get3A_126, %get3A_132, %get3A_138, %get3A_144, %get3A_150, %get3A_156, %get3A_162, %get3A_168, %get3A_174, %get3A_180, %get3A_186, %get3A_192, %get3A_198, %get3A_204, %get3A_210, %get3A_216, %get3A_222, %get3A_228, %get3A_234, %get3A_240, %get3A_246, %get3A_252, %get3A_258, %get3A_264, %get3A_270, %get3A_276, %get3A_282, %get3A_288, %get3A_294, %get3A_300, %get3A_306, %get3A_312, %get3A_318, %get3A_324, %get3A_330, %get3A_336, %get3A_342, %get3A_348, %get3A_354, %get3A_360, %get3A_366, %get3A_372, %get3A_378, %get3A_384, %get3A_390, %get3A_396, %get3A_402, %get3A_408 in 1 : vector<68x128xf32>, vector<68x128xf32>, vector<68x128xf32>, vector<68x128xf32>, vector<68x128xf32>, vector<68x128xf32>, vector<68x128xf32>, vector<68x128xf32>, vector<68x128xf32>, vector<68x128xf32>, vector<68x128xf32>, vector<68x128xf32>, vector<68x128xf32>, vector<68x128xf32>, vector<68x128xf32>, vector<68x128xf32>, vector<68x128xf32>, vector<68x128xf32>, vector<68x128xf32>, vector<68x128xf32>, vector<68x128xf32>, vector<68x128xf32>, vector<68x128xf32>, vector<68x128xf32>, vector<68x128xf32>, vector<68x128xf32>, vector<68x128xf32>, vector<68x128xf32>, vector<68x128xf32>, vector<68x128xf32>, vector<68x128xf32>, vector<68x128xf32>, vector<68x128xf32>, vector<68x128xf32>, vector<68x128xf32>, vector<68x128xf32>, vector<68x128xf32>, vector<68x128xf32>, vector<68x128xf32>, vector<68x128xf32>, vector<68x128xf32>, vector<68x128xf32>, vector<68x128xf32>, vector<68x128xf32>, vector<68x128xf32>, vector<68x128xf32>, vector<68x128xf32>, vector<68x128xf32>, vector<68x128xf32>, vector<68x128xf32>, vector<68x128xf32>, vector<68x128xf32>, vector<68x128xf32>, vector<68x128xf32>, vector<68x128xf32>, vector<68x128xf32>, vector<68x128xf32>, vector<68x128xf32>, vector<68x128xf32>, vector<68x128xf32>, vector<68x128xf32>, vector<68x128xf32>, vector<68x128xf32>, vector<68x128xf32> -> vector<68x8192xf32>
    %get3A_409 = arith.constant 0 : index
    %get3A_410 = arith.constant 0 : index
    %get3A_411 = vector.load %arg3[%get3A_409, %get3A_410] : memref<1x256xf32, #tpu.memory_space<vmem>>, vector<1x256xf32>
    %tile3A = tpu.concatenate %get3A_411, %get3A_411, %get3A_411, %get3A_411, %get3A_411, %get3A_411, %get3A_411, %get3A_411, %get3A_411, %get3A_411, %get3A_411, %get3A_411, %get3A_411, %get3A_411, %get3A_411, %get3A_411, %get3A_411, %get3A_411, %get3A_411, %get3A_411, %get3A_411, %get3A_411, %get3A_411, %get3A_411, %get3A_411, %get3A_411, %get3A_411, %get3A_411, %get3A_411, %get3A_411, %get3A_411, %get3A_411, %get3A_411, %get3A_411, %get3A_411, %get3A_411, %get3A_411, %get3A_411, %get3A_411, %get3A_411, %get3A_411, %get3A_411, %get3A_411, %get3A_411, %get3A_411, %get3A_411, %get3A_411, %get3A_411, %get3A_411, %get3A_411, %get3A_411, %get3A_411, %get3A_411, %get3A_411, %get3A_411, %get3A_411, %get3A_411, %get3A_411, %get3A_411, %get3A_411, %get3A_411, %get3A_411, %get3A_411, %get3A_411 in 1 : vector<1x256xf32>, vector<1x256xf32>, vector<1x256xf32>, vector<1x256xf32>, vector<1x256xf32>, vector<1x256xf32>, vector<1x256xf32>, vector<1x256xf32>, vector<1x256xf32>, vector<1x256xf32>, vector<1x256xf32>, vector<1x256xf32>, vector<1x256xf32>, vector<1x256xf32>, vector<1x256xf32>, vector<1x256xf32>, vector<1x256xf32>, vector<1x256xf32>, vector<1x256xf32>, vector<1x256xf32>, vector<1x256xf32>, vector<1x256xf32>, vector<1x256xf32>, vector<1x256xf32>, vector<1x256xf32>, vector<1x256xf32>, vector<1x256xf32>, vector<1x256xf32>, vector<1x256xf32>, vector<1x256xf32>, vector<1x256xf32>, vector<1x256xf32>, vector<1x256xf32>, vector<1x256xf32>, vector<1x256xf32>, vector<1x256xf32>, vector<1x256xf32>, vector<1x256xf32>, vector<1x256xf32>, vector<1x256xf32>, vector<1x256xf32>, vector<1x256xf32>, vector<1x256xf32>, vector<1x256xf32>, vector<1x256xf32>, vector<1x256xf32>, vector<1x256xf32>, vector<1x256xf32>, vector<1x256xf32>, vector<1x256xf32>, vector<1x256xf32>, vector<1x256xf32>, vector<1x256xf32>, vector<1x256xf32>, vector<1x256xf32>, vector<1x256xf32>, vector<1x256xf32>, vector<1x256xf32>, vector<1x256xf32>, vector<1x256xf32>, vector<1x256xf32>, vector<1x256xf32>, vector<1x256xf32>, vector<1x256xf32> -> vector<1x16384xf32>
    %get3A_412 = arith.constant 0 : index
    %get3A_413 = arith.constant 0 : index
    %get3A_414 = vector.load %arg5[%get3A_412, %get3A_413] : memref<1x256xf32, #tpu.memory_space<vmem>>, vector<1x256xf32>
    %tile3A_415 = tpu.concatenate %get3A_414, %get3A_414, %get3A_414, %get3A_414, %get3A_414, %get3A_414, %get3A_414, %get3A_414, %get3A_414, %get3A_414, %get3A_414, %get3A_414, %get3A_414, %get3A_414, %get3A_414, %get3A_414, %get3A_414, %get3A_414, %get3A_414, %get3A_414, %get3A_414, %get3A_414, %get3A_414, %get3A_414, %get3A_414, %get3A_414, %get3A_414, %get3A_414, %get3A_414, %get3A_414, %get3A_414, %get3A_414, %get3A_414, %get3A_414, %get3A_414, %get3A_414, %get3A_414, %get3A_414, %get3A_414, %get3A_414, %get3A_414, %get3A_414, %get3A_414, %get3A_414, %get3A_414, %get3A_414, %get3A_414, %get3A_414, %get3A_414, %get3A_414, %get3A_414, %get3A_414, %get3A_414, %get3A_414, %get3A_414, %get3A_414, %get3A_414, %get3A_414, %get3A_414, %get3A_414, %get3A_414, %get3A_414, %get3A_414, %get3A_414 in 1 : vector<1x256xf32>, vector<1x256xf32>, vector<1x256xf32>, vector<1x256xf32>, vector<1x256xf32>, vector<1x256xf32>, vector<1x256xf32>, vector<1x256xf32>, vector<1x256xf32>, vector<1x256xf32>, vector<1x256xf32>, vector<1x256xf32>, vector<1x256xf32>, vector<1x256xf32>, vector<1x256xf32>, vector<1x256xf32>, vector<1x256xf32>, vector<1x256xf32>, vector<1x256xf32>, vector<1x256xf32>, vector<1x256xf32>, vector<1x256xf32>, vector<1x256xf32>, vector<1x256xf32>, vector<1x256xf32>, vector<1x256xf32>, vector<1x256xf32>, vector<1x256xf32>, vector<1x256xf32>, vector<1x256xf32>, vector<1x256xf32>, vector<1x256xf32>, vector<1x256xf32>, vector<1x256xf32>, vector<1x256xf32>, vector<1x256xf32>, vector<1x256xf32>, vector<1x256xf32>, vector<1x256xf32>, vector<1x256xf32>, vector<1x256xf32>, vector<1x256xf32>, vector<1x256xf32>, vector<1x256xf32>, vector<1x256xf32>, vector<1x256xf32>, vector<1x256xf32>, vector<1x256xf32>, vector<1x256xf32>, vector<1x256xf32>, vector<1x256xf32>, vector<1x256xf32>, vector<1x256xf32>, vector<1x256xf32>, vector<1x256xf32>, vector<1x256xf32>, vector<1x256xf32>, vector<1x256xf32>, vector<1x256xf32>, vector<1x256xf32>, vector<1x256xf32>, vector<1x256xf32>, vector<1x256xf32>, vector<1x256xf32> -> vector<1x16384xf32>
    %get3A_416 = arith.constant 0 : index
    %get3A_417 = arith.constant 0 : index
    %get3A_418 = vector.load %arg7[%get3A_416, %get3A_417] : memref<1x256xf32, #tpu.memory_space<vmem>>, vector<1x256xf32>
    %tile3A_419 = tpu.concatenate %get3A_418, %get3A_418, %get3A_418, %get3A_418, %get3A_418, %get3A_418, %get3A_418, %get3A_418, %get3A_418, %get3A_418, %get3A_418, %get3A_418, %get3A_418, %get3A_418, %get3A_418, %get3A_418, %get3A_418, %get3A_418, %get3A_418, %get3A_418, %get3A_418, %get3A_418, %get3A_418, %get3A_418, %get3A_418, %get3A_418, %get3A_418, %get3A_418, %get3A_418, %get3A_418, %get3A_418, %get3A_418, %get3A_418, %get3A_418, %get3A_418, %get3A_418, %get3A_418, %get3A_418, %get3A_418, %get3A_418, %get3A_418, %get3A_418, %get3A_418, %get3A_418, %get3A_418, %get3A_418, %get3A_418, %get3A_418, %get3A_418, %get3A_418, %get3A_418, %get3A_418, %get3A_418, %get3A_418, %get3A_418, %get3A_418, %get3A_418, %get3A_418, %get3A_418, %get3A_418, %get3A_418, %get3A_418, %get3A_418, %get3A_418 in 1 : vector<1x256xf32>, vector<1x256xf32>, vector<1x256xf32>, vector<1x256xf32>, vector<1x256xf32>, vector<1x256xf32>, vector<1x256xf32>, vector<1x256xf32>, vector<1x256xf32>, vector<1x256xf32>, vector<1x256xf32>, vector<1x256xf32>, vector<1x256xf32>, vector<1x256xf32>, vector<1x256xf32>, vector<1x256xf32>, vector<1x256xf32>, vector<1x256xf32>, vector<1x256xf32>, vector<1x256xf32>, vector<1x256xf32>, vector<1x256xf32>, vector<1x256xf32>, vector<1x256xf32>, vector<1x256xf32>, vector<1x256xf32>, vector<1x256xf32>, vector<1x256xf32>, vector<1x256xf32>, vector<1x256xf32>, vector<1x256xf32>, vector<1x256xf32>, vector<1x256xf32>, vector<1x256xf32>, vector<1x256xf32>, vector<1x256xf32>, vector<1x256xf32>, vector<1x256xf32>, vector<1x256xf32>, vector<1x256xf32>, vector<1x256xf32>, vector<1x256xf32>, vector<1x256xf32>, vector<1x256xf32>, vector<1x256xf32>, vector<1x256xf32>, vector<1x256xf32>, vector<1x256xf32>, vector<1x256xf32>, vector<1x256xf32>, vector<1x256xf32>, vector<1x256xf32>, vector<1x256xf32>, vector<1x256xf32>, vector<1x256xf32>, vector<1x256xf32>, vector<1x256xf32>, vector<1x256xf32>, vector<1x256xf32>, vector<1x256xf32>, vector<1x256xf32>, vector<1x256xf32>, vector<1x256xf32>, vector<1x256xf32> -> vector<1x16384xf32>
    %get3A_420 = arith.constant 0 : index
    %get3A_421 = arith.constant 0 : index
    %get3A_422 = vector.load %arg2[%get3A_420, %get3A_421] : memref<128x256xf32, #tpu.memory_space<vmem>>, vector<128x256xf32>
    %slice3A = vector.extract_strided_slice %concatenate3A {offsets = [0, 0], sizes = [68, 128], strides = [1, 1]} : vector<68x8192xf32> to vector<68x128xf32>
    %dot_general3A = arith.constant dense<0.000000e+00> : vector<68x256xf32>
    %dot_general3A_423 = tpu.matmul %slice3A, %get3A_422, %dot_general3A {dimension_numbers = #tpu.dot_dimension_numbers<[1], [0], [0], [1], [0, 0, 1, 1], [], []>, transpose_lhs_hint = false} : vector<68x128xf32>, vector<128x256xf32>, vector<68x256xf32> -> vector<68x256xf32>
    %slice3A_424 = vector.extract_strided_slice %concatenate3A {offsets = [0, 128], sizes = [68, 128], strides = [1, 1]} : vector<68x8192xf32> to vector<68x128xf32>
    %dot_general3A_425 = arith.constant dense<0.000000e+00> : vector<68x256xf32>
    %dot_general3A_426 = tpu.matmul %slice3A_424, %get3A_422, %dot_general3A_425 {dimension_numbers = #tpu.dot_dimension_numbers<[1], [0], [0], [1], [0, 0, 1, 1], [], []>, transpose_lhs_hint = false} : vector<68x128xf32>, vector<128x256xf32>, vector<68x256xf32> -> vector<68x256xf32>
    %slice3A_427 = vector.extract_strided_slice %concatenate3A {offsets = [0, 256], sizes = [68, 128], strides = [1, 1]} : vector<68x8192xf32> to vector<68x128xf32>
    %dot_general3A_428 = arith.constant dense<0.000000e+00> : vector<68x256xf32>
    %dot_general3A_429 = tpu.matmul %slice3A_427, %get3A_422, %dot_general3A_428 {dimension_numbers = #tpu.dot_dimension_numbers<[1], [0], [0], [1], [0, 0, 1, 1], [], []>, transpose_lhs_hint = false} : vector<68x128xf32>, vector<128x256xf32>, vector<68x256xf32> -> vector<68x256xf32>
    %slice3A_430 = vector.extract_strided_slice %concatenate3A {offsets = [0, 384], sizes = [68, 128], strides = [1, 1]} : vector<68x8192xf32> to vector<68x128xf32>
    %dot_general3A_431 = arith.constant dense<0.000000e+00> : vector<68x256xf32>
    %dot_general3A_432 = tpu.matmul %slice3A_430, %get3A_422, %dot_general3A_431 {dimension_numbers = #tpu.dot_dimension_numbers<[1], [0], [0], [1], [0, 0, 1, 1], [], []>, transpose_lhs_hint = false} : vector<68x128xf32>, vector<128x256xf32>, vector<68x256xf32> -> vector<68x256xf32>
    %slice3A_433 = vector.extract_strided_slice %concatenate3A {offsets = [0, 512], sizes = [68, 128], strides = [1, 1]} : vector<68x8192xf32> to vector<68x128xf32>
    %dot_general3A_434 = arith.constant dense<0.000000e+00> : vector<68x256xf32>
    %dot_general3A_435 = tpu.matmul %slice3A_433, %get3A_422, %dot_general3A_434 {dimension_numbers = #tpu.dot_dimension_numbers<[1], [0], [0], [1], [0, 0, 1, 1], [], []>, transpose_lhs_hint = false} : vector<68x128xf32>, vector<128x256xf32>, vector<68x256xf32> -> vector<68x256xf32>
    %slice3A_436 = vector.extract_strided_slice %concatenate3A {offsets = [0, 640], sizes = [68, 128], strides = [1, 1]} : vector<68x8192xf32> to vector<68x128xf32>
    %dot_general3A_437 = arith.constant dense<0.000000e+00> : vector<68x256xf32>
    %dot_general3A_438 = tpu.matmul %slice3A_436, %get3A_422, %dot_general3A_437 {dimension_numbers = #tpu.dot_dimension_numbers<[1], [0], [0], [1], [0, 0, 1, 1], [], []>, transpose_lhs_hint = false} : vector<68x128xf32>, vector<128x256xf32>, vector<68x256xf32> -> vector<68x256xf32>
    %slice3A_439 = vector.extract_strided_slice %concatenate3A {offsets = [0, 768], sizes = [68, 128], strides = [1, 1]} : vector<68x8192xf32> to vector<68x128xf32>
    %dot_general3A_440 = arith.constant dense<0.000000e+00> : vector<68x256xf32>
    %dot_general3A_441 = tpu.matmul %slice3A_439, %get3A_422, %dot_general3A_440 {dimension_numbers = #tpu.dot_dimension_numbers<[1], [0], [0], [1], [0, 0, 1, 1], [], []>, transpose_lhs_hint = false} : vector<68x128xf32>, vector<128x256xf32>, vector<68x256xf32> -> vector<68x256xf32>
    %slice3A_442 = vector.extract_strided_slice %concatenate3A {offsets = [0, 896], sizes = [68, 128], strides = [1, 1]} : vector<68x8192xf32> to vector<68x128xf32>
    %dot_general3A_443 = arith.constant dense<0.000000e+00> : vector<68x256xf32>
    %dot_general3A_444 = tpu.matmul %slice3A_442, %get3A_422, %dot_general3A_443 {dimension_numbers = #tpu.dot_dimension_numbers<[1], [0], [0], [1], [0, 0, 1, 1], [], []>, transpose_lhs_hint = false} : vector<68x128xf32>, vector<128x256xf32>, vector<68x256xf32> -> vector<68x256xf32>
    %slice3A_445 = vector.extract_strided_slice %concatenate3A {offsets = [0, 1024], sizes = [68, 128], strides = [1, 1]} : vector<68x8192xf32> to vector<68x128xf32>
    %dot_general3A_446 = arith.constant dense<0.000000e+00> : vector<68x256xf32>
    %dot_general3A_447 = tpu.matmul %slice3A_445, %get3A_422, %dot_general3A_446 {dimension_numbers = #tpu.dot_dimension_numbers<[1], [0], [0], [1], [0, 0, 1, 1], [], []>, transpose_lhs_hint = false} : vector<68x128xf32>, vector<128x256xf32>, vector<68x256xf32> -> vector<68x256xf32>
    %slice3A_448 = vector.extract_strided_slice %concatenate3A {offsets = [0, 1152], sizes = [68, 128], strides = [1, 1]} : vector<68x8192xf32> to vector<68x128xf32>
    %dot_general3A_449 = arith.constant dense<0.000000e+00> : vector<68x256xf32>
    %dot_general3A_450 = tpu.matmul %slice3A_448, %get3A_422, %dot_general3A_449 {dimension_numbers = #tpu.dot_dimension_numbers<[1], [0], [0], [1], [0, 0, 1, 1], [], []>, transpose_lhs_hint = false} : vector<68x128xf32>, vector<128x256xf32>, vector<68x256xf32> -> vector<68x256xf32>
    %slice3A_451 = vector.extract_strided_slice %concatenate3A {offsets = [0, 1280], sizes = [68, 128], strides = [1, 1]} : vector<68x8192xf32> to vector<68x128xf32>
    %dot_general3A_452 = arith.constant dense<0.000000e+00> : vector<68x256xf32>
    %dot_general3A_453 = tpu.matmul %slice3A_451, %get3A_422, %dot_general3A_452 {dimension_numbers = #tpu.dot_dimension_numbers<[1], [0], [0], [1], [0, 0, 1, 1], [], []>, transpose_lhs_hint = false} : vector<68x128xf32>, vector<128x256xf32>, vector<68x256xf32> -> vector<68x256xf32>
    %slice3A_454 = vector.extract_strided_slice %concatenate3A {offsets = [0, 1408], sizes = [68, 128], strides = [1, 1]} : vector<68x8192xf32> to vector<68x128xf32>
    %dot_general3A_455 = arith.constant dense<0.000000e+00> : vector<68x256xf32>
    %dot_general3A_456 = tpu.matmul %slice3A_454, %get3A_422, %dot_general3A_455 {dimension_numbers = #tpu.dot_dimension_numbers<[1], [0], [0], [1], [0, 0, 1, 1], [], []>, transpose_lhs_hint = false} : vector<68x128xf32>, vector<128x256xf32>, vector<68x256xf32> -> vector<68x256xf32>
    %slice3A_457 = vector.extract_strided_slice %concatenate3A {offsets = [0, 1536], sizes = [68, 128], strides = [1, 1]} : vector<68x8192xf32> to vector<68x128xf32>
    %dot_general3A_458 = arith.constant dense<0.000000e+00> : vector<68x256xf32>
    %dot_general3A_459 = tpu.matmul %slice3A_457, %get3A_422, %dot_general3A_458 {dimension_numbers = #tpu.dot_dimension_numbers<[1], [0], [0], [1], [0, 0, 1, 1], [], []>, transpose_lhs_hint = false} : vector<68x128xf32>, vector<128x256xf32>, vector<68x256xf32> -> vector<68x256xf32>
    %slice3A_460 = vector.extract_strided_slice %concatenate3A {offsets = [0, 1664], sizes = [68, 128], strides = [1, 1]} : vector<68x8192xf32> to vector<68x128xf32>
    %dot_general3A_461 = arith.constant dense<0.000000e+00> : vector<68x256xf32>
    %dot_general3A_462 = tpu.matmul %slice3A_460, %get3A_422, %dot_general3A_461 {dimension_numbers = #tpu.dot_dimension_numbers<[1], [0], [0], [1], [0, 0, 1, 1], [], []>, transpose_lhs_hint = false} : vector<68x128xf32>, vector<128x256xf32>, vector<68x256xf32> -> vector<68x256xf32>
    %slice3A_463 = vector.extract_strided_slice %concatenate3A {offsets = [0, 1792], sizes = [68, 128], strides = [1, 1]} : vector<68x8192xf32> to vector<68x128xf32>
    %dot_general3A_464 = arith.constant dense<0.000000e+00> : vector<68x256xf32>
    %dot_general3A_465 = tpu.matmul %slice3A_463, %get3A_422, %dot_general3A_464 {dimension_numbers = #tpu.dot_dimension_numbers<[1], [0], [0], [1], [0, 0, 1, 1], [], []>, transpose_lhs_hint = false} : vector<68x128xf32>, vector<128x256xf32>, vector<68x256xf32> -> vector<68x256xf32>
    %slice3A_466 = vector.extract_strided_slice %concatenate3A {offsets = [0, 1920], sizes = [68, 128], strides = [1, 1]} : vector<68x8192xf32> to vector<68x128xf32>
    %dot_general3A_467 = arith.constant dense<0.000000e+00> : vector<68x256xf32>
    %dot_general3A_468 = tpu.matmul %slice3A_466, %get3A_422, %dot_general3A_467 {dimension_numbers = #tpu.dot_dimension_numbers<[1], [0], [0], [1], [0, 0, 1, 1], [], []>, transpose_lhs_hint = false} : vector<68x128xf32>, vector<128x256xf32>, vector<68x256xf32> -> vector<68x256xf32>
    %slice3A_469 = vector.extract_strided_slice %concatenate3A {offsets = [0, 2048], sizes = [68, 128], strides = [1, 1]} : vector<68x8192xf32> to vector<68x128xf32>
    %dot_general3A_470 = arith.constant dense<0.000000e+00> : vector<68x256xf32>
    %dot_general3A_471 = tpu.matmul %slice3A_469, %get3A_422, %dot_general3A_470 {dimension_numbers = #tpu.dot_dimension_numbers<[1], [0], [0], [1], [0, 0, 1, 1], [], []>, transpose_lhs_hint = false} : vector<68x128xf32>, vector<128x256xf32>, vector<68x256xf32> -> vector<68x256xf32>
    %slice3A_472 = vector.extract_strided_slice %concatenate3A {offsets = [0, 2176], sizes = [68, 128], strides = [1, 1]} : vector<68x8192xf32> to vector<68x128xf32>
    %dot_general3A_473 = arith.constant dense<0.000000e+00> : vector<68x256xf32>
    %dot_general3A_474 = tpu.matmul %slice3A_472, %get3A_422, %dot_general3A_473 {dimension_numbers = #tpu.dot_dimension_numbers<[1], [0], [0], [1], [0, 0, 1, 1], [], []>, transpose_lhs_hint = false} : vector<68x128xf32>, vector<128x256xf32>, vector<68x256xf32> -> vector<68x256xf32>
    %slice3A_475 = vector.extract_strided_slice %concatenate3A {offsets = [0, 2304], sizes = [68, 128], strides = [1, 1]} : vector<68x8192xf32> to vector<68x128xf32>
    %dot_general3A_476 = arith.constant dense<0.000000e+00> : vector<68x256xf32>
    %dot_general3A_477 = tpu.matmul %slice3A_475, %get3A_422, %dot_general3A_476 {dimension_numbers = #tpu.dot_dimension_numbers<[1], [0], [0], [1], [0, 0, 1, 1], [], []>, transpose_lhs_hint = false} : vector<68x128xf32>, vector<128x256xf32>, vector<68x256xf32> -> vector<68x256xf32>
    %slice3A_478 = vector.extract_strided_slice %concatenate3A {offsets = [0, 2432], sizes = [68, 128], strides = [1, 1]} : vector<68x8192xf32> to vector<68x128xf32>
    %dot_general3A_479 = arith.constant dense<0.000000e+00> : vector<68x256xf32>
    %dot_general3A_480 = tpu.matmul %slice3A_478, %get3A_422, %dot_general3A_479 {dimension_numbers = #tpu.dot_dimension_numbers<[1], [0], [0], [1], [0, 0, 1, 1], [], []>, transpose_lhs_hint = false} : vector<68x128xf32>, vector<128x256xf32>, vector<68x256xf32> -> vector<68x256xf32>
    %slice3A_481 = vector.extract_strided_slice %concatenate3A {offsets = [0, 2560], sizes = [68, 128], strides = [1, 1]} : vector<68x8192xf32> to vector<68x128xf32>
    %dot_general3A_482 = arith.constant dense<0.000000e+00> : vector<68x256xf32>
    %dot_general3A_483 = tpu.matmul %slice3A_481, %get3A_422, %dot_general3A_482 {dimension_numbers = #tpu.dot_dimension_numbers<[1], [0], [0], [1], [0, 0, 1, 1], [], []>, transpose_lhs_hint = false} : vector<68x128xf32>, vector<128x256xf32>, vector<68x256xf32> -> vector<68x256xf32>
    %slice3A_484 = vector.extract_strided_slice %concatenate3A {offsets = [0, 2688], sizes = [68, 128], strides = [1, 1]} : vector<68x8192xf32> to vector<68x128xf32>
    %dot_general3A_485 = arith.constant dense<0.000000e+00> : vector<68x256xf32>
    %dot_general3A_486 = tpu.matmul %slice3A_484, %get3A_422, %dot_general3A_485 {dimension_numbers = #tpu.dot_dimension_numbers<[1], [0], [0], [1], [0, 0, 1, 1], [], []>, transpose_lhs_hint = false} : vector<68x128xf32>, vector<128x256xf32>, vector<68x256xf32> -> vector<68x256xf32>
    %slice3A_487 = vector.extract_strided_slice %concatenate3A {offsets = [0, 2816], sizes = [68, 128], strides = [1, 1]} : vector<68x8192xf32> to vector<68x128xf32>
    %dot_general3A_488 = arith.constant dense<0.000000e+00> : vector<68x256xf32>
    %dot_general3A_489 = tpu.matmul %slice3A_487, %get3A_422, %dot_general3A_488 {dimension_numbers = #tpu.dot_dimension_numbers<[1], [0], [0], [1], [0, 0, 1, 1], [], []>, transpose_lhs_hint = false} : vector<68x128xf32>, vector<128x256xf32>, vector<68x256xf32> -> vector<68x256xf32>
    %slice3A_490 = vector.extract_strided_slice %concatenate3A {offsets = [0, 2944], sizes = [68, 128], strides = [1, 1]} : vector<68x8192xf32> to vector<68x128xf32>
    %dot_general3A_491 = arith.constant dense<0.000000e+00> : vector<68x256xf32>
    %dot_general3A_492 = tpu.matmul %slice3A_490, %get3A_422, %dot_general3A_491 {dimension_numbers = #tpu.dot_dimension_numbers<[1], [0], [0], [1], [0, 0, 1, 1], [], []>, transpose_lhs_hint = false} : vector<68x128xf32>, vector<128x256xf32>, vector<68x256xf32> -> vector<68x256xf32>
    %slice3A_493 = vector.extract_strided_slice %concatenate3A {offsets = [0, 3072], sizes = [68, 128], strides = [1, 1]} : vector<68x8192xf32> to vector<68x128xf32>
    %dot_general3A_494 = arith.constant dense<0.000000e+00> : vector<68x256xf32>
    %dot_general3A_495 = tpu.matmul %slice3A_493, %get3A_422, %dot_general3A_494 {dimension_numbers = #tpu.dot_dimension_numbers<[1], [0], [0], [1], [0, 0, 1, 1], [], []>, transpose_lhs_hint = false} : vector<68x128xf32>, vector<128x256xf32>, vector<68x256xf32> -> vector<68x256xf32>
    %slice3A_496 = vector.extract_strided_slice %concatenate3A {offsets = [0, 3200], sizes = [68, 128], strides = [1, 1]} : vector<68x8192xf32> to vector<68x128xf32>
    %dot_general3A_497 = arith.constant dense<0.000000e+00> : vector<68x256xf32>
    %dot_general3A_498 = tpu.matmul %slice3A_496, %get3A_422, %dot_general3A_497 {dimension_numbers = #tpu.dot_dimension_numbers<[1], [0], [0], [1], [0, 0, 1, 1], [], []>, transpose_lhs_hint = false} : vector<68x128xf32>, vector<128x256xf32>, vector<68x256xf32> -> vector<68x256xf32>
    %slice3A_499 = vector.extract_strided_slice %concatenate3A {offsets = [0, 3328], sizes = [68, 128], strides = [1, 1]} : vector<68x8192xf32> to vector<68x128xf32>
    %dot_general3A_500 = arith.constant dense<0.000000e+00> : vector<68x256xf32>
    %dot_general3A_501 = tpu.matmul %slice3A_499, %get3A_422, %dot_general3A_500 {dimension_numbers = #tpu.dot_dimension_numbers<[1], [0], [0], [1], [0, 0, 1, 1], [], []>, transpose_lhs_hint = false} : vector<68x128xf32>, vector<128x256xf32>, vector<68x256xf32> -> vector<68x256xf32>
    %slice3A_502 = vector.extract_strided_slice %concatenate3A {offsets = [0, 3456], sizes = [68, 128], strides = [1, 1]} : vector<68x8192xf32> to vector<68x128xf32>
    %dot_general3A_503 = arith.constant dense<0.000000e+00> : vector<68x256xf32>
    %dot_general3A_504 = tpu.matmul %slice3A_502, %get3A_422, %dot_general3A_503 {dimension_numbers = #tpu.dot_dimension_numbers<[1], [0], [0], [1], [0, 0, 1, 1], [], []>, transpose_lhs_hint = false} : vector<68x128xf32>, vector<128x256xf32>, vector<68x256xf32> -> vector<68x256xf32>
    %slice3A_505 = vector.extract_strided_slice %concatenate3A {offsets = [0, 3584], sizes = [68, 128], strides = [1, 1]} : vector<68x8192xf32> to vector<68x128xf32>
    %dot_general3A_506 = arith.constant dense<0.000000e+00> : vector<68x256xf32>
    %dot_general3A_507 = tpu.matmul %slice3A_505, %get3A_422, %dot_general3A_506 {dimension_numbers = #tpu.dot_dimension_numbers<[1], [0], [0], [1], [0, 0, 1, 1], [], []>, transpose_lhs_hint = false} : vector<68x128xf32>, vector<128x256xf32>, vector<68x256xf32> -> vector<68x256xf32>
    %slice3A_508 = vector.extract_strided_slice %concatenate3A {offsets = [0, 3712], sizes = [68, 128], strides = [1, 1]} : vector<68x8192xf32> to vector<68x128xf32>
    %dot_general3A_509 = arith.constant dense<0.000000e+00> : vector<68x256xf32>
    %dot_general3A_510 = tpu.matmul %slice3A_508, %get3A_422, %dot_general3A_509 {dimension_numbers = #tpu.dot_dimension_numbers<[1], [0], [0], [1], [0, 0, 1, 1], [], []>, transpose_lhs_hint = false} : vector<68x128xf32>, vector<128x256xf32>, vector<68x256xf32> -> vector<68x256xf32>
    %slice3A_511 = vector.extract_strided_slice %concatenate3A {offsets = [0, 3840], sizes = [68, 128], strides = [1, 1]} : vector<68x8192xf32> to vector<68x128xf32>
    %dot_general3A_512 = arith.constant dense<0.000000e+00> : vector<68x256xf32>
    %dot_general3A_513 = tpu.matmul %slice3A_511, %get3A_422, %dot_general3A_512 {dimension_numbers = #tpu.dot_dimension_numbers<[1], [0], [0], [1], [0, 0, 1, 1], [], []>, transpose_lhs_hint = false} : vector<68x128xf32>, vector<128x256xf32>, vector<68x256xf32> -> vector<68x256xf32>
    %slice3A_514 = vector.extract_strided_slice %concatenate3A {offsets = [0, 3968], sizes = [68, 128], strides = [1, 1]} : vector<68x8192xf32> to vector<68x128xf32>
    %dot_general3A_515 = arith.constant dense<0.000000e+00> : vector<68x256xf32>
    %dot_general3A_516 = tpu.matmul %slice3A_514, %get3A_422, %dot_general3A_515 {dimension_numbers = #tpu.dot_dimension_numbers<[1], [0], [0], [1], [0, 0, 1, 1], [], []>, transpose_lhs_hint = false} : vector<68x128xf32>, vector<128x256xf32>, vector<68x256xf32> -> vector<68x256xf32>
    %slice3A_517 = vector.extract_strided_slice %concatenate3A {offsets = [0, 4096], sizes = [68, 128], strides = [1, 1]} : vector<68x8192xf32> to vector<68x128xf32>
    %dot_general3A_518 = arith.constant dense<0.000000e+00> : vector<68x256xf32>
    %dot_general3A_519 = tpu.matmul %slice3A_517, %get3A_422, %dot_general3A_518 {dimension_numbers = #tpu.dot_dimension_numbers<[1], [0], [0], [1], [0, 0, 1, 1], [], []>, transpose_lhs_hint = false} : vector<68x128xf32>, vector<128x256xf32>, vector<68x256xf32> -> vector<68x256xf32>
    %slice3A_520 = vector.extract_strided_slice %concatenate3A {offsets = [0, 4224], sizes = [68, 128], strides = [1, 1]} : vector<68x8192xf32> to vector<68x128xf32>
    %dot_general3A_521 = arith.constant dense<0.000000e+00> : vector<68x256xf32>
    %dot_general3A_522 = tpu.matmul %slice3A_520, %get3A_422, %dot_general3A_521 {dimension_numbers = #tpu.dot_dimension_numbers<[1], [0], [0], [1], [0, 0, 1, 1], [], []>, transpose_lhs_hint = false} : vector<68x128xf32>, vector<128x256xf32>, vector<68x256xf32> -> vector<68x256xf32>
    %slice3A_523 = vector.extract_strided_slice %concatenate3A {offsets = [0, 4352], sizes = [68, 128], strides = [1, 1]} : vector<68x8192xf32> to vector<68x128xf32>
    %dot_general3A_524 = arith.constant dense<0.000000e+00> : vector<68x256xf32>
    %dot_general3A_525 = tpu.matmul %slice3A_523, %get3A_422, %dot_general3A_524 {dimension_numbers = #tpu.dot_dimension_numbers<[1], [0], [0], [1], [0, 0, 1, 1], [], []>, transpose_lhs_hint = false} : vector<68x128xf32>, vector<128x256xf32>, vector<68x256xf32> -> vector<68x256xf32>
    %slice3A_526 = vector.extract_strided_slice %concatenate3A {offsets = [0, 4480], sizes = [68, 128], strides = [1, 1]} : vector<68x8192xf32> to vector<68x128xf32>
    %dot_general3A_527 = arith.constant dense<0.000000e+00> : vector<68x256xf32>
    %dot_general3A_528 = tpu.matmul %slice3A_526, %get3A_422, %dot_general3A_527 {dimension_numbers = #tpu.dot_dimension_numbers<[1], [0], [0], [1], [0, 0, 1, 1], [], []>, transpose_lhs_hint = false} : vector<68x128xf32>, vector<128x256xf32>, vector<68x256xf32> -> vector<68x256xf32>
    %slice3A_529 = vector.extract_strided_slice %concatenate3A {offsets = [0, 4608], sizes = [68, 128], strides = [1, 1]} : vector<68x8192xf32> to vector<68x128xf32>
    %dot_general3A_530 = arith.constant dense<0.000000e+00> : vector<68x256xf32>
    %dot_general3A_531 = tpu.matmul %slice3A_529, %get3A_422, %dot_general3A_530 {dimension_numbers = #tpu.dot_dimension_numbers<[1], [0], [0], [1], [0, 0, 1, 1], [], []>, transpose_lhs_hint = false} : vector<68x128xf32>, vector<128x256xf32>, vector<68x256xf32> -> vector<68x256xf32>
    %slice3A_532 = vector.extract_strided_slice %concatenate3A {offsets = [0, 4736], sizes = [68, 128], strides = [1, 1]} : vector<68x8192xf32> to vector<68x128xf32>
    %dot_general3A_533 = arith.constant dense<0.000000e+00> : vector<68x256xf32>
    %dot_general3A_534 = tpu.matmul %slice3A_532, %get3A_422, %dot_general3A_533 {dimension_numbers = #tpu.dot_dimension_numbers<[1], [0], [0], [1], [0, 0, 1, 1], [], []>, transpose_lhs_hint = false} : vector<68x128xf32>, vector<128x256xf32>, vector<68x256xf32> -> vector<68x256xf32>
    %slice3A_535 = vector.extract_strided_slice %concatenate3A {offsets = [0, 4864], sizes = [68, 128], strides = [1, 1]} : vector<68x8192xf32> to vector<68x128xf32>
    %dot_general3A_536 = arith.constant dense<0.000000e+00> : vector<68x256xf32>
    %dot_general3A_537 = tpu.matmul %slice3A_535, %get3A_422, %dot_general3A_536 {dimension_numbers = #tpu.dot_dimension_numbers<[1], [0], [0], [1], [0, 0, 1, 1], [], []>, transpose_lhs_hint = false} : vector<68x128xf32>, vector<128x256xf32>, vector<68x256xf32> -> vector<68x256xf32>
    %slice3A_538 = vector.extract_strided_slice %concatenate3A {offsets = [0, 4992], sizes = [68, 128], strides = [1, 1]} : vector<68x8192xf32> to vector<68x128xf32>
    %dot_general3A_539 = arith.constant dense<0.000000e+00> : vector<68x256xf32>
    %dot_general3A_540 = tpu.matmul %slice3A_538, %get3A_422, %dot_general3A_539 {dimension_numbers = #tpu.dot_dimension_numbers<[1], [0], [0], [1], [0, 0, 1, 1], [], []>, transpose_lhs_hint = false} : vector<68x128xf32>, vector<128x256xf32>, vector<68x256xf32> -> vector<68x256xf32>
    %slice3A_541 = vector.extract_strided_slice %concatenate3A {offsets = [0, 5120], sizes = [68, 128], strides = [1, 1]} : vector<68x8192xf32> to vector<68x128xf32>
    %dot_general3A_542 = arith.constant dense<0.000000e+00> : vector<68x256xf32>
    %dot_general3A_543 = tpu.matmul %slice3A_541, %get3A_422, %dot_general3A_542 {dimension_numbers = #tpu.dot_dimension_numbers<[1], [0], [0], [1], [0, 0, 1, 1], [], []>, transpose_lhs_hint = false} : vector<68x128xf32>, vector<128x256xf32>, vector<68x256xf32> -> vector<68x256xf32>
    %slice3A_544 = vector.extract_strided_slice %concatenate3A {offsets = [0, 5248], sizes = [68, 128], strides = [1, 1]} : vector<68x8192xf32> to vector<68x128xf32>
    %dot_general3A_545 = arith.constant dense<0.000000e+00> : vector<68x256xf32>
    %dot_general3A_546 = tpu.matmul %slice3A_544, %get3A_422, %dot_general3A_545 {dimension_numbers = #tpu.dot_dimension_numbers<[1], [0], [0], [1], [0, 0, 1, 1], [], []>, transpose_lhs_hint = false} : vector<68x128xf32>, vector<128x256xf32>, vector<68x256xf32> -> vector<68x256xf32>
    %slice3A_547 = vector.extract_strided_slice %concatenate3A {offsets = [0, 5376], sizes = [68, 128], strides = [1, 1]} : vector<68x8192xf32> to vector<68x128xf32>
    %dot_general3A_548 = arith.constant dense<0.000000e+00> : vector<68x256xf32>
    %dot_general3A_549 = tpu.matmul %slice3A_547, %get3A_422, %dot_general3A_548 {dimension_numbers = #tpu.dot_dimension_numbers<[1], [0], [0], [1], [0, 0, 1, 1], [], []>, transpose_lhs_hint = false} : vector<68x128xf32>, vector<128x256xf32>, vector<68x256xf32> -> vector<68x256xf32>
    %slice3A_550 = vector.extract_strided_slice %concatenate3A {offsets = [0, 5504], sizes = [68, 128], strides = [1, 1]} : vector<68x8192xf32> to vector<68x128xf32>
    %dot_general3A_551 = arith.constant dense<0.000000e+00> : vector<68x256xf32>
    %dot_general3A_552 = tpu.matmul %slice3A_550, %get3A_422, %dot_general3A_551 {dimension_numbers = #tpu.dot_dimension_numbers<[1], [0], [0], [1], [0, 0, 1, 1], [], []>, transpose_lhs_hint = false} : vector<68x128xf32>, vector<128x256xf32>, vector<68x256xf32> -> vector<68x256xf32>
    %slice3A_553 = vector.extract_strided_slice %concatenate3A {offsets = [0, 5632], sizes = [68, 128], strides = [1, 1]} : vector<68x8192xf32> to vector<68x128xf32>
    %dot_general3A_554 = arith.constant dense<0.000000e+00> : vector<68x256xf32>
    %dot_general3A_555 = tpu.matmul %slice3A_553, %get3A_422, %dot_general3A_554 {dimension_numbers = #tpu.dot_dimension_numbers<[1], [0], [0], [1], [0, 0, 1, 1], [], []>, transpose_lhs_hint = false} : vector<68x128xf32>, vector<128x256xf32>, vector<68x256xf32> -> vector<68x256xf32>
    %slice3A_556 = vector.extract_strided_slice %concatenate3A {offsets = [0, 5760], sizes = [68, 128], strides = [1, 1]} : vector<68x8192xf32> to vector<68x128xf32>
    %dot_general3A_557 = arith.constant dense<0.000000e+00> : vector<68x256xf32>
    %dot_general3A_558 = tpu.matmul %slice3A_556, %get3A_422, %dot_general3A_557 {dimension_numbers = #tpu.dot_dimension_numbers<[1], [0], [0], [1], [0, 0, 1, 1], [], []>, transpose_lhs_hint = false} : vector<68x128xf32>, vector<128x256xf32>, vector<68x256xf32> -> vector<68x256xf32>
    %slice3A_559 = vector.extract_strided_slice %concatenate3A {offsets = [0, 5888], sizes = [68, 128], strides = [1, 1]} : vector<68x8192xf32> to vector<68x128xf32>
    %dot_general3A_560 = arith.constant dense<0.000000e+00> : vector<68x256xf32>
    %dot_general3A_561 = tpu.matmul %slice3A_559, %get3A_422, %dot_general3A_560 {dimension_numbers = #tpu.dot_dimension_numbers<[1], [0], [0], [1], [0, 0, 1, 1], [], []>, transpose_lhs_hint = false} : vector<68x128xf32>, vector<128x256xf32>, vector<68x256xf32> -> vector<68x256xf32>
    %slice3A_562 = vector.extract_strided_slice %concatenate3A {offsets = [0, 6016], sizes = [68, 128], strides = [1, 1]} : vector<68x8192xf32> to vector<68x128xf32>
    %dot_general3A_563 = arith.constant dense<0.000000e+00> : vector<68x256xf32>
    %dot_general3A_564 = tpu.matmul %slice3A_562, %get3A_422, %dot_general3A_563 {dimension_numbers = #tpu.dot_dimension_numbers<[1], [0], [0], [1], [0, 0, 1, 1], [], []>, transpose_lhs_hint = false} : vector<68x128xf32>, vector<128x256xf32>, vector<68x256xf32> -> vector<68x256xf32>
    %slice3A_565 = vector.extract_strided_slice %concatenate3A {offsets = [0, 6144], sizes = [68, 128], strides = [1, 1]} : vector<68x8192xf32> to vector<68x128xf32>
    %dot_general3A_566 = arith.constant dense<0.000000e+00> : vector<68x256xf32>
    %dot_general3A_567 = tpu.matmul %slice3A_565, %get3A_422, %dot_general3A_566 {dimension_numbers = #tpu.dot_dimension_numbers<[1], [0], [0], [1], [0, 0, 1, 1], [], []>, transpose_lhs_hint = false} : vector<68x128xf32>, vector<128x256xf32>, vector<68x256xf32> -> vector<68x256xf32>
    %slice3A_568 = vector.extract_strided_slice %concatenate3A {offsets = [0, 6272], sizes = [68, 128], strides = [1, 1]} : vector<68x8192xf32> to vector<68x128xf32>
    %dot_general3A_569 = arith.constant dense<0.000000e+00> : vector<68x256xf32>
    %dot_general3A_570 = tpu.matmul %slice3A_568, %get3A_422, %dot_general3A_569 {dimension_numbers = #tpu.dot_dimension_numbers<[1], [0], [0], [1], [0, 0, 1, 1], [], []>, transpose_lhs_hint = false} : vector<68x128xf32>, vector<128x256xf32>, vector<68x256xf32> -> vector<68x256xf32>
    %slice3A_571 = vector.extract_strided_slice %concatenate3A {offsets = [0, 6400], sizes = [68, 128], strides = [1, 1]} : vector<68x8192xf32> to vector<68x128xf32>
    %dot_general3A_572 = arith.constant dense<0.000000e+00> : vector<68x256xf32>
    %dot_general3A_573 = tpu.matmul %slice3A_571, %get3A_422, %dot_general3A_572 {dimension_numbers = #tpu.dot_dimension_numbers<[1], [0], [0], [1], [0, 0, 1, 1], [], []>, transpose_lhs_hint = false} : vector<68x128xf32>, vector<128x256xf32>, vector<68x256xf32> -> vector<68x256xf32>
    %slice3A_574 = vector.extract_strided_slice %concatenate3A {offsets = [0, 6528], sizes = [68, 128], strides = [1, 1]} : vector<68x8192xf32> to vector<68x128xf32>
    %dot_general3A_575 = arith.constant dense<0.000000e+00> : vector<68x256xf32>
    %dot_general3A_576 = tpu.matmul %slice3A_574, %get3A_422, %dot_general3A_575 {dimension_numbers = #tpu.dot_dimension_numbers<[1], [0], [0], [1], [0, 0, 1, 1], [], []>, transpose_lhs_hint = false} : vector<68x128xf32>, vector<128x256xf32>, vector<68x256xf32> -> vector<68x256xf32>
    %slice3A_577 = vector.extract_strided_slice %concatenate3A {offsets = [0, 6656], sizes = [68, 128], strides = [1, 1]} : vector<68x8192xf32> to vector<68x128xf32>
    %dot_general3A_578 = arith.constant dense<0.000000e+00> : vector<68x256xf32>
    %dot_general3A_579 = tpu.matmul %slice3A_577, %get3A_422, %dot_general3A_578 {dimension_numbers = #tpu.dot_dimension_numbers<[1], [0], [0], [1], [0, 0, 1, 1], [], []>, transpose_lhs_hint = false} : vector<68x128xf32>, vector<128x256xf32>, vector<68x256xf32> -> vector<68x256xf32>
    %slice3A_580 = vector.extract_strided_slice %concatenate3A {offsets = [0, 6784], sizes = [68, 128], strides = [1, 1]} : vector<68x8192xf32> to vector<68x128xf32>
    %dot_general3A_581 = arith.constant dense<0.000000e+00> : vector<68x256xf32>
    %dot_general3A_582 = tpu.matmul %slice3A_580, %get3A_422, %dot_general3A_581 {dimension_numbers = #tpu.dot_dimension_numbers<[1], [0], [0], [1], [0, 0, 1, 1], [], []>, transpose_lhs_hint = false} : vector<68x128xf32>, vector<128x256xf32>, vector<68x256xf32> -> vector<68x256xf32>
    %slice3A_583 = vector.extract_strided_slice %concatenate3A {offsets = [0, 6912], sizes = [68, 128], strides = [1, 1]} : vector<68x8192xf32> to vector<68x128xf32>
    %dot_general3A_584 = arith.constant dense<0.000000e+00> : vector<68x256xf32>
    %dot_general3A_585 = tpu.matmul %slice3A_583, %get3A_422, %dot_general3A_584 {dimension_numbers = #tpu.dot_dimension_numbers<[1], [0], [0], [1], [0, 0, 1, 1], [], []>, transpose_lhs_hint = false} : vector<68x128xf32>, vector<128x256xf32>, vector<68x256xf32> -> vector<68x256xf32>
    %slice3A_586 = vector.extract_strided_slice %concatenate3A {offsets = [0, 7040], sizes = [68, 128], strides = [1, 1]} : vector<68x8192xf32> to vector<68x128xf32>
    %dot_general3A_587 = arith.constant dense<0.000000e+00> : vector<68x256xf32>
    %dot_general3A_588 = tpu.matmul %slice3A_586, %get3A_422, %dot_general3A_587 {dimension_numbers = #tpu.dot_dimension_numbers<[1], [0], [0], [1], [0, 0, 1, 1], [], []>, transpose_lhs_hint = false} : vector<68x128xf32>, vector<128x256xf32>, vector<68x256xf32> -> vector<68x256xf32>
    %slice3A_589 = vector.extract_strided_slice %concatenate3A {offsets = [0, 7168], sizes = [68, 128], strides = [1, 1]} : vector<68x8192xf32> to vector<68x128xf32>
    %dot_general3A_590 = arith.constant dense<0.000000e+00> : vector<68x256xf32>
    %dot_general3A_591 = tpu.matmul %slice3A_589, %get3A_422, %dot_general3A_590 {dimension_numbers = #tpu.dot_dimension_numbers<[1], [0], [0], [1], [0, 0, 1, 1], [], []>, transpose_lhs_hint = false} : vector<68x128xf32>, vector<128x256xf32>, vector<68x256xf32> -> vector<68x256xf32>
    %slice3A_592 = vector.extract_strided_slice %concatenate3A {offsets = [0, 7296], sizes = [68, 128], strides = [1, 1]} : vector<68x8192xf32> to vector<68x128xf32>
    %dot_general3A_593 = arith.constant dense<0.000000e+00> : vector<68x256xf32>
    %dot_general3A_594 = tpu.matmul %slice3A_592, %get3A_422, %dot_general3A_593 {dimension_numbers = #tpu.dot_dimension_numbers<[1], [0], [0], [1], [0, 0, 1, 1], [], []>, transpose_lhs_hint = false} : vector<68x128xf32>, vector<128x256xf32>, vector<68x256xf32> -> vector<68x256xf32>
    %slice3A_595 = vector.extract_strided_slice %concatenate3A {offsets = [0, 7424], sizes = [68, 128], strides = [1, 1]} : vector<68x8192xf32> to vector<68x128xf32>
    %dot_general3A_596 = arith.constant dense<0.000000e+00> : vector<68x256xf32>
    %dot_general3A_597 = tpu.matmul %slice3A_595, %get3A_422, %dot_general3A_596 {dimension_numbers = #tpu.dot_dimension_numbers<[1], [0], [0], [1], [0, 0, 1, 1], [], []>, transpose_lhs_hint = false} : vector<68x128xf32>, vector<128x256xf32>, vector<68x256xf32> -> vector<68x256xf32>
    %slice3A_598 = vector.extract_strided_slice %concatenate3A {offsets = [0, 7552], sizes = [68, 128], strides = [1, 1]} : vector<68x8192xf32> to vector<68x128xf32>
    %dot_general3A_599 = arith.constant dense<0.000000e+00> : vector<68x256xf32>
    %dot_general3A_600 = tpu.matmul %slice3A_598, %get3A_422, %dot_general3A_599 {dimension_numbers = #tpu.dot_dimension_numbers<[1], [0], [0], [1], [0, 0, 1, 1], [], []>, transpose_lhs_hint = false} : vector<68x128xf32>, vector<128x256xf32>, vector<68x256xf32> -> vector<68x256xf32>
    %slice3A_601 = vector.extract_strided_slice %concatenate3A {offsets = [0, 7680], sizes = [68, 128], strides = [1, 1]} : vector<68x8192xf32> to vector<68x128xf32>
    %dot_general3A_602 = arith.constant dense<0.000000e+00> : vector<68x256xf32>
    %dot_general3A_603 = tpu.matmul %slice3A_601, %get3A_422, %dot_general3A_602 {dimension_numbers = #tpu.dot_dimension_numbers<[1], [0], [0], [1], [0, 0, 1, 1], [], []>, transpose_lhs_hint = false} : vector<68x128xf32>, vector<128x256xf32>, vector<68x256xf32> -> vector<68x256xf32>
    %slice3A_604 = vector.extract_strided_slice %concatenate3A {offsets = [0, 7808], sizes = [68, 128], strides = [1, 1]} : vector<68x8192xf32> to vector<68x128xf32>
    %dot_general3A_605 = arith.constant dense<0.000000e+00> : vector<68x256xf32>
    %dot_general3A_606 = tpu.matmul %slice3A_604, %get3A_422, %dot_general3A_605 {dimension_numbers = #tpu.dot_dimension_numbers<[1], [0], [0], [1], [0, 0, 1, 1], [], []>, transpose_lhs_hint = false} : vector<68x128xf32>, vector<128x256xf32>, vector<68x256xf32> -> vector<68x256xf32>
    %slice3A_607 = vector.extract_strided_slice %concatenate3A {offsets = [0, 7936], sizes = [68, 128], strides = [1, 1]} : vector<68x8192xf32> to vector<68x128xf32>
    %dot_general3A_608 = arith.constant dense<0.000000e+00> : vector<68x256xf32>
    %dot_general3A_609 = tpu.matmul %slice3A_607, %get3A_422, %dot_general3A_608 {dimension_numbers = #tpu.dot_dimension_numbers<[1], [0], [0], [1], [0, 0, 1, 1], [], []>, transpose_lhs_hint = false} : vector<68x128xf32>, vector<128x256xf32>, vector<68x256xf32> -> vector<68x256xf32>
    %slice3A_610 = vector.extract_strided_slice %concatenate3A {offsets = [0, 8064], sizes = [68, 128], strides = [1, 1]} : vector<68x8192xf32> to vector<68x128xf32>
    %dot_general3A_611 = arith.constant dense<0.000000e+00> : vector<68x256xf32>
    %dot_general3A_612 = tpu.matmul %slice3A_610, %get3A_422, %dot_general3A_611 {dimension_numbers = #tpu.dot_dimension_numbers<[1], [0], [0], [1], [0, 0, 1, 1], [], []>, transpose_lhs_hint = false} : vector<68x128xf32>, vector<128x256xf32>, vector<68x256xf32> -> vector<68x256xf32>
    %concatenate3A_613 = tpu.concatenate %dot_general3A_423, %dot_general3A_426, %dot_general3A_429, %dot_general3A_432, %dot_general3A_435, %dot_general3A_438, %dot_general3A_441, %dot_general3A_444, %dot_general3A_447, %dot_general3A_450, %dot_general3A_453, %dot_general3A_456, %dot_general3A_459, %dot_general3A_462, %dot_general3A_465, %dot_general3A_468, %dot_general3A_471, %dot_general3A_474, %dot_general3A_477, %dot_general3A_480, %dot_general3A_483, %dot_general3A_486, %dot_general3A_489, %dot_general3A_492, %dot_general3A_495, %dot_general3A_498, %dot_general3A_501, %dot_general3A_504, %dot_general3A_507, %dot_general3A_510, %dot_general3A_513, %dot_general3A_516, %dot_general3A_519, %dot_general3A_522, %dot_general3A_525, %dot_general3A_528, %dot_general3A_531, %dot_general3A_534, %dot_general3A_537, %dot_general3A_540, %dot_general3A_543, %dot_general3A_546, %dot_general3A_549, %dot_general3A_552, %dot_general3A_555, %dot_general3A_558, %dot_general3A_561, %dot_general3A_564, %dot_general3A_567, %dot_general3A_570, %dot_general3A_573, %dot_general3A_576, %dot_general3A_579, %dot_general3A_582, %dot_general3A_585, %dot_general3A_588, %dot_general3A_591, %dot_general3A_594, %dot_general3A_597, %dot_general3A_600, %dot_general3A_603, %dot_general3A_606, %dot_general3A_609, %dot_general3A_612 in 1 : vector<68x256xf32>, vector<68x256xf32>, vector<68x256xf32>, vector<68x256xf32>, vector<68x256xf32>, vector<68x256xf32>, vector<68x256xf32>, vector<68x256xf32>, vector<68x256xf32>, vector<68x256xf32>, vector<68x256xf32>, vector<68x256xf32>, vector<68x256xf32>, vector<68x256xf32>, vector<68x256xf32>, vector<68x256xf32>, vector<68x256xf32>, vector<68x256xf32>, vector<68x256xf32>, vector<68x256xf32>, vector<68x256xf32>, vector<68x256xf32>, vector<68x256xf32>, vector<68x256xf32>, vector<68x256xf32>, vector<68x256xf32>, vector<68x256xf32>, vector<68x256xf32>, vector<68x256xf32>, vector<68x256xf32>, vector<68x256xf32>, vector<68x256xf32>, vector<68x256xf32>, vector<68x256xf32>, vector<68x256xf32>, vector<68x256xf32>, vector<68x256xf32>, vector<68x256xf32>, vector<68x256xf32>, vector<68x256xf32>, vector<68x256xf32>, vector<68x256xf32>, vector<68x256xf32>, vector<68x256xf32>, vector<68x256xf32>, vector<68x256xf32>, vector<68x256xf32>, vector<68x256xf32>, vector<68x256xf32>, vector<68x256xf32>, vector<68x256xf32>, vector<68x256xf32>, vector<68x256xf32>, vector<68x256xf32>, vector<68x256xf32>, vector<68x256xf32>, vector<68x256xf32>, vector<68x256xf32>, vector<68x256xf32>, vector<68x256xf32>, vector<68x256xf32>, vector<68x256xf32>, vector<68x256xf32>, vector<68x256xf32> -> vector<68x16384xf32>
    %dot_general3A_614 = arith.constant dense<0.000000e+00> : vector<68x16384xf32>
    %dot_general3A_615 = tpu.matmul %mul3A_24, %concatenate3A_613, %dot_general3A_614 {dimension_numbers = #tpu.dot_dimension_numbers<[1], [0], [0], [1], [0, 0, 1, 1], [], []>, transpose_lhs_hint = false} : vector<68x68xf32>, vector<68x16384xf32>, vector<68x16384xf32> -> vector<68x16384xf32>
    %add3A_616 = vector.broadcast %tile3A : vector<1x16384xf32> to vector<68x16384xf32>
    %add3A_617 = arith.addf %dot_general3A_615, %add3A_616 : vector<68x16384xf32>
    %max3A = arith.constant 0.000000e+00 : f32
    %max3A_618 = vector.broadcast %max3A : f32 to vector<68x16384xf32>
    %max3A_619 = arith.maximumf %add3A_617, %max3A_618 : vector<68x16384xf32>
    %get3A_620 = arith.constant 0 : index
    %get3A_621 = arith.constant 0 : index
    %get3A_622 = vector.load %arg4[%get3A_620, %get3A_621] : memref<256x256xf32, #tpu.memory_space<vmem>>, vector<256x256xf32>
    %slice3A_623 = vector.extract_strided_slice %max3A_619 {offsets = [0, 0], sizes = [68, 256], strides = [1, 1]} : vector<68x16384xf32> to vector<68x256xf32>
    %dot_general3A_624 = arith.constant dense<0.000000e+00> : vector<68x256xf32>
    %dot_general3A_625 = tpu.matmul %slice3A_623, %get3A_622, %dot_general3A_624 {dimension_numbers = #tpu.dot_dimension_numbers<[1], [0], [0], [1], [0, 0, 1, 1], [], []>, transpose_lhs_hint = false} : vector<68x256xf32>, vector<256x256xf32>, vector<68x256xf32> -> vector<68x256xf32>
    %slice3A_626 = vector.extract_strided_slice %max3A_619 {offsets = [0, 256], sizes = [68, 256], strides = [1, 1]} : vector<68x16384xf32> to vector<68x256xf32>
    %dot_general3A_627 = arith.constant dense<0.000000e+00> : vector<68x256xf32>
    %dot_general3A_628 = tpu.matmul %slice3A_626, %get3A_622, %dot_general3A_627 {dimension_numbers = #tpu.dot_dimension_numbers<[1], [0], [0], [1], [0, 0, 1, 1], [], []>, transpose_lhs_hint = false} : vector<68x256xf32>, vector<256x256xf32>, vector<68x256xf32> -> vector<68x256xf32>
    %slice3A_629 = vector.extract_strided_slice %max3A_619 {offsets = [0, 512], sizes = [68, 256], strides = [1, 1]} : vector<68x16384xf32> to vector<68x256xf32>
    %dot_general3A_630 = arith.constant dense<0.000000e+00> : vector<68x256xf32>
    %dot_general3A_631 = tpu.matmul %slice3A_629, %get3A_622, %dot_general3A_630 {dimension_numbers = #tpu.dot_dimension_numbers<[1], [0], [0], [1], [0, 0, 1, 1], [], []>, transpose_lhs_hint = false} : vector<68x256xf32>, vector<256x256xf32>, vector<68x256xf32> -> vector<68x256xf32>
    %slice3A_632 = vector.extract_strided_slice %max3A_619 {offsets = [0, 768], sizes = [68, 256], strides = [1, 1]} : vector<68x16384xf32> to vector<68x256xf32>
    %dot_general3A_633 = arith.constant dense<0.000000e+00> : vector<68x256xf32>
    %dot_general3A_634 = tpu.matmul %slice3A_632, %get3A_622, %dot_general3A_633 {dimension_numbers = #tpu.dot_dimension_numbers<[1], [0], [0], [1], [0, 0, 1, 1], [], []>, transpose_lhs_hint = false} : vector<68x256xf32>, vector<256x256xf32>, vector<68x256xf32> -> vector<68x256xf32>
    %slice3A_635 = vector.extract_strided_slice %max3A_619 {offsets = [0, 1024], sizes = [68, 256], strides = [1, 1]} : vector<68x16384xf32> to vector<68x256xf32>
    %dot_general3A_636 = arith.constant dense<0.000000e+00> : vector<68x256xf32>
    %dot_general3A_637 = tpu.matmul %slice3A_635, %get3A_622, %dot_general3A_636 {dimension_numbers = #tpu.dot_dimension_numbers<[1], [0], [0], [1], [0, 0, 1, 1], [], []>, transpose_lhs_hint = false} : vector<68x256xf32>, vector<256x256xf32>, vector<68x256xf32> -> vector<68x256xf32>
    %slice3A_638 = vector.extract_strided_slice %max3A_619 {offsets = [0, 1280], sizes = [68, 256], strides = [1, 1]} : vector<68x16384xf32> to vector<68x256xf32>
    %dot_general3A_639 = arith.constant dense<0.000000e+00> : vector<68x256xf32>
    %dot_general3A_640 = tpu.matmul %slice3A_638, %get3A_622, %dot_general3A_639 {dimension_numbers = #tpu.dot_dimension_numbers<[1], [0], [0], [1], [0, 0, 1, 1], [], []>, transpose_lhs_hint = false} : vector<68x256xf32>, vector<256x256xf32>, vector<68x256xf32> -> vector<68x256xf32>
    %slice3A_641 = vector.extract_strided_slice %max3A_619 {offsets = [0, 1536], sizes = [68, 256], strides = [1, 1]} : vector<68x16384xf32> to vector<68x256xf32>
    %dot_general3A_642 = arith.constant dense<0.000000e+00> : vector<68x256xf32>
    %dot_general3A_643 = tpu.matmul %slice3A_641, %get3A_622, %dot_general3A_642 {dimension_numbers = #tpu.dot_dimension_numbers<[1], [0], [0], [1], [0, 0, 1, 1], [], []>, transpose_lhs_hint = false} : vector<68x256xf32>, vector<256x256xf32>, vector<68x256xf32> -> vector<68x256xf32>
    %slice3A_644 = vector.extract_strided_slice %max3A_619 {offsets = [0, 1792], sizes = [68, 256], strides = [1, 1]} : vector<68x16384xf32> to vector<68x256xf32>
    %dot_general3A_645 = arith.constant dense<0.000000e+00> : vector<68x256xf32>
    %dot_general3A_646 = tpu.matmul %slice3A_644, %get3A_622, %dot_general3A_645 {dimension_numbers = #tpu.dot_dimension_numbers<[1], [0], [0], [1], [0, 0, 1, 1], [], []>, transpose_lhs_hint = false} : vector<68x256xf32>, vector<256x256xf32>, vector<68x256xf32> -> vector<68x256xf32>
    %slice3A_647 = vector.extract_strided_slice %max3A_619 {offsets = [0, 2048], sizes = [68, 256], strides = [1, 1]} : vector<68x16384xf32> to vector<68x256xf32>
    %dot_general3A_648 = arith.constant dense<0.000000e+00> : vector<68x256xf32>
    %dot_general3A_649 = tpu.matmul %slice3A_647, %get3A_622, %dot_general3A_648 {dimension_numbers = #tpu.dot_dimension_numbers<[1], [0], [0], [1], [0, 0, 1, 1], [], []>, transpose_lhs_hint = false} : vector<68x256xf32>, vector<256x256xf32>, vector<68x256xf32> -> vector<68x256xf32>
    %slice3A_650 = vector.extract_strided_slice %max3A_619 {offsets = [0, 2304], sizes = [68, 256], strides = [1, 1]} : vector<68x16384xf32> to vector<68x256xf32>
    %dot_general3A_651 = arith.constant dense<0.000000e+00> : vector<68x256xf32>
    %dot_general3A_652 = tpu.matmul %slice3A_650, %get3A_622, %dot_general3A_651 {dimension_numbers = #tpu.dot_dimension_numbers<[1], [0], [0], [1], [0, 0, 1, 1], [], []>, transpose_lhs_hint = false} : vector<68x256xf32>, vector<256x256xf32>, vector<68x256xf32> -> vector<68x256xf32>
    %slice3A_653 = vector.extract_strided_slice %max3A_619 {offsets = [0, 2560], sizes = [68, 256], strides = [1, 1]} : vector<68x16384xf32> to vector<68x256xf32>
    %dot_general3A_654 = arith.constant dense<0.000000e+00> : vector<68x256xf32>
    %dot_general3A_655 = tpu.matmul %slice3A_653, %get3A_622, %dot_general3A_654 {dimension_numbers = #tpu.dot_dimension_numbers<[1], [0], [0], [1], [0, 0, 1, 1], [], []>, transpose_lhs_hint = false} : vector<68x256xf32>, vector<256x256xf32>, vector<68x256xf32> -> vector<68x256xf32>
    %slice3A_656 = vector.extract_strided_slice %max3A_619 {offsets = [0, 2816], sizes = [68, 256], strides = [1, 1]} : vector<68x16384xf32> to vector<68x256xf32>
    %dot_general3A_657 = arith.constant dense<0.000000e+00> : vector<68x256xf32>
    %dot_general3A_658 = tpu.matmul %slice3A_656, %get3A_622, %dot_general3A_657 {dimension_numbers = #tpu.dot_dimension_numbers<[1], [0], [0], [1], [0, 0, 1, 1], [], []>, transpose_lhs_hint = false} : vector<68x256xf32>, vector<256x256xf32>, vector<68x256xf32> -> vector<68x256xf32>
    %slice3A_659 = vector.extract_strided_slice %max3A_619 {offsets = [0, 3072], sizes = [68, 256], strides = [1, 1]} : vector<68x16384xf32> to vector<68x256xf32>
    %dot_general3A_660 = arith.constant dense<0.000000e+00> : vector<68x256xf32>
    %dot_general3A_661 = tpu.matmul %slice3A_659, %get3A_622, %dot_general3A_660 {dimension_numbers = #tpu.dot_dimension_numbers<[1], [0], [0], [1], [0, 0, 1, 1], [], []>, transpose_lhs_hint = false} : vector<68x256xf32>, vector<256x256xf32>, vector<68x256xf32> -> vector<68x256xf32>
    %slice3A_662 = vector.extract_strided_slice %max3A_619 {offsets = [0, 3328], sizes = [68, 256], strides = [1, 1]} : vector<68x16384xf32> to vector<68x256xf32>
    %dot_general3A_663 = arith.constant dense<0.000000e+00> : vector<68x256xf32>
    %dot_general3A_664 = tpu.matmul %slice3A_662, %get3A_622, %dot_general3A_663 {dimension_numbers = #tpu.dot_dimension_numbers<[1], [0], [0], [1], [0, 0, 1, 1], [], []>, transpose_lhs_hint = false} : vector<68x256xf32>, vector<256x256xf32>, vector<68x256xf32> -> vector<68x256xf32>
    %slice3A_665 = vector.extract_strided_slice %max3A_619 {offsets = [0, 3584], sizes = [68, 256], strides = [1, 1]} : vector<68x16384xf32> to vector<68x256xf32>
    %dot_general3A_666 = arith.constant dense<0.000000e+00> : vector<68x256xf32>
    %dot_general3A_667 = tpu.matmul %slice3A_665, %get3A_622, %dot_general3A_666 {dimension_numbers = #tpu.dot_dimension_numbers<[1], [0], [0], [1], [0, 0, 1, 1], [], []>, transpose_lhs_hint = false} : vector<68x256xf32>, vector<256x256xf32>, vector<68x256xf32> -> vector<68x256xf32>
    %slice3A_668 = vector.extract_strided_slice %max3A_619 {offsets = [0, 3840], sizes = [68, 256], strides = [1, 1]} : vector<68x16384xf32> to vector<68x256xf32>
    %dot_general3A_669 = arith.constant dense<0.000000e+00> : vector<68x256xf32>
    %dot_general3A_670 = tpu.matmul %slice3A_668, %get3A_622, %dot_general3A_669 {dimension_numbers = #tpu.dot_dimension_numbers<[1], [0], [0], [1], [0, 0, 1, 1], [], []>, transpose_lhs_hint = false} : vector<68x256xf32>, vector<256x256xf32>, vector<68x256xf32> -> vector<68x256xf32>
    %slice3A_671 = vector.extract_strided_slice %max3A_619 {offsets = [0, 4096], sizes = [68, 256], strides = [1, 1]} : vector<68x16384xf32> to vector<68x256xf32>
    %dot_general3A_672 = arith.constant dense<0.000000e+00> : vector<68x256xf32>
    %dot_general3A_673 = tpu.matmul %slice3A_671, %get3A_622, %dot_general3A_672 {dimension_numbers = #tpu.dot_dimension_numbers<[1], [0], [0], [1], [0, 0, 1, 1], [], []>, transpose_lhs_hint = false} : vector<68x256xf32>, vector<256x256xf32>, vector<68x256xf32> -> vector<68x256xf32>
    %slice3A_674 = vector.extract_strided_slice %max3A_619 {offsets = [0, 4352], sizes = [68, 256], strides = [1, 1]} : vector<68x16384xf32> to vector<68x256xf32>
    %dot_general3A_675 = arith.constant dense<0.000000e+00> : vector<68x256xf32>
    %dot_general3A_676 = tpu.matmul %slice3A_674, %get3A_622, %dot_general3A_675 {dimension_numbers = #tpu.dot_dimension_numbers<[1], [0], [0], [1], [0, 0, 1, 1], [], []>, transpose_lhs_hint = false} : vector<68x256xf32>, vector<256x256xf32>, vector<68x256xf32> -> vector<68x256xf32>
    %slice3A_677 = vector.extract_strided_slice %max3A_619 {offsets = [0, 4608], sizes = [68, 256], strides = [1, 1]} : vector<68x16384xf32> to vector<68x256xf32>
    %dot_general3A_678 = arith.constant dense<0.000000e+00> : vector<68x256xf32>
    %dot_general3A_679 = tpu.matmul %slice3A_677, %get3A_622, %dot_general3A_678 {dimension_numbers = #tpu.dot_dimension_numbers<[1], [0], [0], [1], [0, 0, 1, 1], [], []>, transpose_lhs_hint = false} : vector<68x256xf32>, vector<256x256xf32>, vector<68x256xf32> -> vector<68x256xf32>
    %slice3A_680 = vector.extract_strided_slice %max3A_619 {offsets = [0, 4864], sizes = [68, 256], strides = [1, 1]} : vector<68x16384xf32> to vector<68x256xf32>
    %dot_general3A_681 = arith.constant dense<0.000000e+00> : vector<68x256xf32>
    %dot_general3A_682 = tpu.matmul %slice3A_680, %get3A_622, %dot_general3A_681 {dimension_numbers = #tpu.dot_dimension_numbers<[1], [0], [0], [1], [0, 0, 1, 1], [], []>, transpose_lhs_hint = false} : vector<68x256xf32>, vector<256x256xf32>, vector<68x256xf32> -> vector<68x256xf32>
    %slice3A_683 = vector.extract_strided_slice %max3A_619 {offsets = [0, 5120], sizes = [68, 256], strides = [1, 1]} : vector<68x16384xf32> to vector<68x256xf32>
    %dot_general3A_684 = arith.constant dense<0.000000e+00> : vector<68x256xf32>
    %dot_general3A_685 = tpu.matmul %slice3A_683, %get3A_622, %dot_general3A_684 {dimension_numbers = #tpu.dot_dimension_numbers<[1], [0], [0], [1], [0, 0, 1, 1], [], []>, transpose_lhs_hint = false} : vector<68x256xf32>, vector<256x256xf32>, vector<68x256xf32> -> vector<68x256xf32>
    %slice3A_686 = vector.extract_strided_slice %max3A_619 {offsets = [0, 5376], sizes = [68, 256], strides = [1, 1]} : vector<68x16384xf32> to vector<68x256xf32>
    %dot_general3A_687 = arith.constant dense<0.000000e+00> : vector<68x256xf32>
    %dot_general3A_688 = tpu.matmul %slice3A_686, %get3A_622, %dot_general3A_687 {dimension_numbers = #tpu.dot_dimension_numbers<[1], [0], [0], [1], [0, 0, 1, 1], [], []>, transpose_lhs_hint = false} : vector<68x256xf32>, vector<256x256xf32>, vector<68x256xf32> -> vector<68x256xf32>
    %slice3A_689 = vector.extract_strided_slice %max3A_619 {offsets = [0, 5632], sizes = [68, 256], strides = [1, 1]} : vector<68x16384xf32> to vector<68x256xf32>
    %dot_general3A_690 = arith.constant dense<0.000000e+00> : vector<68x256xf32>
    %dot_general3A_691 = tpu.matmul %slice3A_689, %get3A_622, %dot_general3A_690 {dimension_numbers = #tpu.dot_dimension_numbers<[1], [0], [0], [1], [0, 0, 1, 1], [], []>, transpose_lhs_hint = false} : vector<68x256xf32>, vector<256x256xf32>, vector<68x256xf32> -> vector<68x256xf32>
    %slice3A_692 = vector.extract_strided_slice %max3A_619 {offsets = [0, 5888], sizes = [68, 256], strides = [1, 1]} : vector<68x16384xf32> to vector<68x256xf32>
    %dot_general3A_693 = arith.constant dense<0.000000e+00> : vector<68x256xf32>
    %dot_general3A_694 = tpu.matmul %slice3A_692, %get3A_622, %dot_general3A_693 {dimension_numbers = #tpu.dot_dimension_numbers<[1], [0], [0], [1], [0, 0, 1, 1], [], []>, transpose_lhs_hint = false} : vector<68x256xf32>, vector<256x256xf32>, vector<68x256xf32> -> vector<68x256xf32>
    %slice3A_695 = vector.extract_strided_slice %max3A_619 {offsets = [0, 6144], sizes = [68, 256], strides = [1, 1]} : vector<68x16384xf32> to vector<68x256xf32>
    %dot_general3A_696 = arith.constant dense<0.000000e+00> : vector<68x256xf32>
    %dot_general3A_697 = tpu.matmul %slice3A_695, %get3A_622, %dot_general3A_696 {dimension_numbers = #tpu.dot_dimension_numbers<[1], [0], [0], [1], [0, 0, 1, 1], [], []>, transpose_lhs_hint = false} : vector<68x256xf32>, vector<256x256xf32>, vector<68x256xf32> -> vector<68x256xf32>
    %slice3A_698 = vector.extract_strided_slice %max3A_619 {offsets = [0, 6400], sizes = [68, 256], strides = [1, 1]} : vector<68x16384xf32> to vector<68x256xf32>
    %dot_general3A_699 = arith.constant dense<0.000000e+00> : vector<68x256xf32>
    %dot_general3A_700 = tpu.matmul %slice3A_698, %get3A_622, %dot_general3A_699 {dimension_numbers = #tpu.dot_dimension_numbers<[1], [0], [0], [1], [0, 0, 1, 1], [], []>, transpose_lhs_hint = false} : vector<68x256xf32>, vector<256x256xf32>, vector<68x256xf32> -> vector<68x256xf32>
    %slice3A_701 = vector.extract_strided_slice %max3A_619 {offsets = [0, 6656], sizes = [68, 256], strides = [1, 1]} : vector<68x16384xf32> to vector<68x256xf32>
    %dot_general3A_702 = arith.constant dense<0.000000e+00> : vector<68x256xf32>
    %dot_general3A_703 = tpu.matmul %slice3A_701, %get3A_622, %dot_general3A_702 {dimension_numbers = #tpu.dot_dimension_numbers<[1], [0], [0], [1], [0, 0, 1, 1], [], []>, transpose_lhs_hint = false} : vector<68x256xf32>, vector<256x256xf32>, vector<68x256xf32> -> vector<68x256xf32>
    %slice3A_704 = vector.extract_strided_slice %max3A_619 {offsets = [0, 6912], sizes = [68, 256], strides = [1, 1]} : vector<68x16384xf32> to vector<68x256xf32>
    %dot_general3A_705 = arith.constant dense<0.000000e+00> : vector<68x256xf32>
    %dot_general3A_706 = tpu.matmul %slice3A_704, %get3A_622, %dot_general3A_705 {dimension_numbers = #tpu.dot_dimension_numbers<[1], [0], [0], [1], [0, 0, 1, 1], [], []>, transpose_lhs_hint = false} : vector<68x256xf32>, vector<256x256xf32>, vector<68x256xf32> -> vector<68x256xf32>
    %slice3A_707 = vector.extract_strided_slice %max3A_619 {offsets = [0, 7168], sizes = [68, 256], strides = [1, 1]} : vector<68x16384xf32> to vector<68x256xf32>
    %dot_general3A_708 = arith.constant dense<0.000000e+00> : vector<68x256xf32>
    %dot_general3A_709 = tpu.matmul %slice3A_707, %get3A_622, %dot_general3A_708 {dimension_numbers = #tpu.dot_dimension_numbers<[1], [0], [0], [1], [0, 0, 1, 1], [], []>, transpose_lhs_hint = false} : vector<68x256xf32>, vector<256x256xf32>, vector<68x256xf32> -> vector<68x256xf32>
    %slice3A_710 = vector.extract_strided_slice %max3A_619 {offsets = [0, 7424], sizes = [68, 256], strides = [1, 1]} : vector<68x16384xf32> to vector<68x256xf32>
    %dot_general3A_711 = arith.constant dense<0.000000e+00> : vector<68x256xf32>
    %dot_general3A_712 = tpu.matmul %slice3A_710, %get3A_622, %dot_general3A_711 {dimension_numbers = #tpu.dot_dimension_numbers<[1], [0], [0], [1], [0, 0, 1, 1], [], []>, transpose_lhs_hint = false} : vector<68x256xf32>, vector<256x256xf32>, vector<68x256xf32> -> vector<68x256xf32>
    %slice3A_713 = vector.extract_strided_slice %max3A_619 {offsets = [0, 7680], sizes = [68, 256], strides = [1, 1]} : vector<68x16384xf32> to vector<68x256xf32>
    %dot_general3A_714 = arith.constant dense<0.000000e+00> : vector<68x256xf32>
    %dot_general3A_715 = tpu.matmul %slice3A_713, %get3A_622, %dot_general3A_714 {dimension_numbers = #tpu.dot_dimension_numbers<[1], [0], [0], [1], [0, 0, 1, 1], [], []>, transpose_lhs_hint = false} : vector<68x256xf32>, vector<256x256xf32>, vector<68x256xf32> -> vector<68x256xf32>
    %slice3A_716 = vector.extract_strided_slice %max3A_619 {offsets = [0, 7936], sizes = [68, 256], strides = [1, 1]} : vector<68x16384xf32> to vector<68x256xf32>
    %dot_general3A_717 = arith.constant dense<0.000000e+00> : vector<68x256xf32>
    %dot_general3A_718 = tpu.matmul %slice3A_716, %get3A_622, %dot_general3A_717 {dimension_numbers = #tpu.dot_dimension_numbers<[1], [0], [0], [1], [0, 0, 1, 1], [], []>, transpose_lhs_hint = false} : vector<68x256xf32>, vector<256x256xf32>, vector<68x256xf32> -> vector<68x256xf32>
    %slice3A_719 = vector.extract_strided_slice %max3A_619 {offsets = [0, 8192], sizes = [68, 256], strides = [1, 1]} : vector<68x16384xf32> to vector<68x256xf32>
    %dot_general3A_720 = arith.constant dense<0.000000e+00> : vector<68x256xf32>
    %dot_general3A_721 = tpu.matmul %slice3A_719, %get3A_622, %dot_general3A_720 {dimension_numbers = #tpu.dot_dimension_numbers<[1], [0], [0], [1], [0, 0, 1, 1], [], []>, transpose_lhs_hint = false} : vector<68x256xf32>, vector<256x256xf32>, vector<68x256xf32> -> vector<68x256xf32>
    %slice3A_722 = vector.extract_strided_slice %max3A_619 {offsets = [0, 8448], sizes = [68, 256], strides = [1, 1]} : vector<68x16384xf32> to vector<68x256xf32>
    %dot_general3A_723 = arith.constant dense<0.000000e+00> : vector<68x256xf32>
    %dot_general3A_724 = tpu.matmul %slice3A_722, %get3A_622, %dot_general3A_723 {dimension_numbers = #tpu.dot_dimension_numbers<[1], [0], [0], [1], [0, 0, 1, 1], [], []>, transpose_lhs_hint = false} : vector<68x256xf32>, vector<256x256xf32>, vector<68x256xf32> -> vector<68x256xf32>
    %slice3A_725 = vector.extract_strided_slice %max3A_619 {offsets = [0, 8704], sizes = [68, 256], strides = [1, 1]} : vector<68x16384xf32> to vector<68x256xf32>
    %dot_general3A_726 = arith.constant dense<0.000000e+00> : vector<68x256xf32>
    %dot_general3A_727 = tpu.matmul %slice3A_725, %get3A_622, %dot_general3A_726 {dimension_numbers = #tpu.dot_dimension_numbers<[1], [0], [0], [1], [0, 0, 1, 1], [], []>, transpose_lhs_hint = false} : vector<68x256xf32>, vector<256x256xf32>, vector<68x256xf32> -> vector<68x256xf32>
    %slice3A_728 = vector.extract_strided_slice %max3A_619 {offsets = [0, 8960], sizes = [68, 256], strides = [1, 1]} : vector<68x16384xf32> to vector<68x256xf32>
    %dot_general3A_729 = arith.constant dense<0.000000e+00> : vector<68x256xf32>
    %dot_general3A_730 = tpu.matmul %slice3A_728, %get3A_622, %dot_general3A_729 {dimension_numbers = #tpu.dot_dimension_numbers<[1], [0], [0], [1], [0, 0, 1, 1], [], []>, transpose_lhs_hint = false} : vector<68x256xf32>, vector<256x256xf32>, vector<68x256xf32> -> vector<68x256xf32>
    %slice3A_731 = vector.extract_strided_slice %max3A_619 {offsets = [0, 9216], sizes = [68, 256], strides = [1, 1]} : vector<68x16384xf32> to vector<68x256xf32>
    %dot_general3A_732 = arith.constant dense<0.000000e+00> : vector<68x256xf32>
    %dot_general3A_733 = tpu.matmul %slice3A_731, %get3A_622, %dot_general3A_732 {dimension_numbers = #tpu.dot_dimension_numbers<[1], [0], [0], [1], [0, 0, 1, 1], [], []>, transpose_lhs_hint = false} : vector<68x256xf32>, vector<256x256xf32>, vector<68x256xf32> -> vector<68x256xf32>
    %slice3A_734 = vector.extract_strided_slice %max3A_619 {offsets = [0, 9472], sizes = [68, 256], strides = [1, 1]} : vector<68x16384xf32> to vector<68x256xf32>
    %dot_general3A_735 = arith.constant dense<0.000000e+00> : vector<68x256xf32>
    %dot_general3A_736 = tpu.matmul %slice3A_734, %get3A_622, %dot_general3A_735 {dimension_numbers = #tpu.dot_dimension_numbers<[1], [0], [0], [1], [0, 0, 1, 1], [], []>, transpose_lhs_hint = false} : vector<68x256xf32>, vector<256x256xf32>, vector<68x256xf32> -> vector<68x256xf32>
    %slice3A_737 = vector.extract_strided_slice %max3A_619 {offsets = [0, 9728], sizes = [68, 256], strides = [1, 1]} : vector<68x16384xf32> to vector<68x256xf32>
    %dot_general3A_738 = arith.constant dense<0.000000e+00> : vector<68x256xf32>
    %dot_general3A_739 = tpu.matmul %slice3A_737, %get3A_622, %dot_general3A_738 {dimension_numbers = #tpu.dot_dimension_numbers<[1], [0], [0], [1], [0, 0, 1, 1], [], []>, transpose_lhs_hint = false} : vector<68x256xf32>, vector<256x256xf32>, vector<68x256xf32> -> vector<68x256xf32>
    %slice3A_740 = vector.extract_strided_slice %max3A_619 {offsets = [0, 9984], sizes = [68, 256], strides = [1, 1]} : vector<68x16384xf32> to vector<68x256xf32>
    %dot_general3A_741 = arith.constant dense<0.000000e+00> : vector<68x256xf32>
    %dot_general3A_742 = tpu.matmul %slice3A_740, %get3A_622, %dot_general3A_741 {dimension_numbers = #tpu.dot_dimension_numbers<[1], [0], [0], [1], [0, 0, 1, 1], [], []>, transpose_lhs_hint = false} : vector<68x256xf32>, vector<256x256xf32>, vector<68x256xf32> -> vector<68x256xf32>
    %slice3A_743 = vector.extract_strided_slice %max3A_619 {offsets = [0, 10240], sizes = [68, 256], strides = [1, 1]} : vector<68x16384xf32> to vector<68x256xf32>
    %dot_general3A_744 = arith.constant dense<0.000000e+00> : vector<68x256xf32>
    %dot_general3A_745 = tpu.matmul %slice3A_743, %get3A_622, %dot_general3A_744 {dimension_numbers = #tpu.dot_dimension_numbers<[1], [0], [0], [1], [0, 0, 1, 1], [], []>, transpose_lhs_hint = false} : vector<68x256xf32>, vector<256x256xf32>, vector<68x256xf32> -> vector<68x256xf32>
    %slice3A_746 = vector.extract_strided_slice %max3A_619 {offsets = [0, 10496], sizes = [68, 256], strides = [1, 1]} : vector<68x16384xf32> to vector<68x256xf32>
    %dot_general3A_747 = arith.constant dense<0.000000e+00> : vector<68x256xf32>
    %dot_general3A_748 = tpu.matmul %slice3A_746, %get3A_622, %dot_general3A_747 {dimension_numbers = #tpu.dot_dimension_numbers<[1], [0], [0], [1], [0, 0, 1, 1], [], []>, transpose_lhs_hint = false} : vector<68x256xf32>, vector<256x256xf32>, vector<68x256xf32> -> vector<68x256xf32>
    %slice3A_749 = vector.extract_strided_slice %max3A_619 {offsets = [0, 10752], sizes = [68, 256], strides = [1, 1]} : vector<68x16384xf32> to vector<68x256xf32>
    %dot_general3A_750 = arith.constant dense<0.000000e+00> : vector<68x256xf32>
    %dot_general3A_751 = tpu.matmul %slice3A_749, %get3A_622, %dot_general3A_750 {dimension_numbers = #tpu.dot_dimension_numbers<[1], [0], [0], [1], [0, 0, 1, 1], [], []>, transpose_lhs_hint = false} : vector<68x256xf32>, vector<256x256xf32>, vector<68x256xf32> -> vector<68x256xf32>
    %slice3A_752 = vector.extract_strided_slice %max3A_619 {offsets = [0, 11008], sizes = [68, 256], strides = [1, 1]} : vector<68x16384xf32> to vector<68x256xf32>
    %dot_general3A_753 = arith.constant dense<0.000000e+00> : vector<68x256xf32>
    %dot_general3A_754 = tpu.matmul %slice3A_752, %get3A_622, %dot_general3A_753 {dimension_numbers = #tpu.dot_dimension_numbers<[1], [0], [0], [1], [0, 0, 1, 1], [], []>, transpose_lhs_hint = false} : vector<68x256xf32>, vector<256x256xf32>, vector<68x256xf32> -> vector<68x256xf32>
    %slice3A_755 = vector.extract_strided_slice %max3A_619 {offsets = [0, 11264], sizes = [68, 256], strides = [1, 1]} : vector<68x16384xf32> to vector<68x256xf32>
    %dot_general3A_756 = arith.constant dense<0.000000e+00> : vector<68x256xf32>
    %dot_general3A_757 = tpu.matmul %slice3A_755, %get3A_622, %dot_general3A_756 {dimension_numbers = #tpu.dot_dimension_numbers<[1], [0], [0], [1], [0, 0, 1, 1], [], []>, transpose_lhs_hint = false} : vector<68x256xf32>, vector<256x256xf32>, vector<68x256xf32> -> vector<68x256xf32>
    %slice3A_758 = vector.extract_strided_slice %max3A_619 {offsets = [0, 11520], sizes = [68, 256], strides = [1, 1]} : vector<68x16384xf32> to vector<68x256xf32>
    %dot_general3A_759 = arith.constant dense<0.000000e+00> : vector<68x256xf32>
    %dot_general3A_760 = tpu.matmul %slice3A_758, %get3A_622, %dot_general3A_759 {dimension_numbers = #tpu.dot_dimension_numbers<[1], [0], [0], [1], [0, 0, 1, 1], [], []>, transpose_lhs_hint = false} : vector<68x256xf32>, vector<256x256xf32>, vector<68x256xf32> -> vector<68x256xf32>
    %slice3A_761 = vector.extract_strided_slice %max3A_619 {offsets = [0, 11776], sizes = [68, 256], strides = [1, 1]} : vector<68x16384xf32> to vector<68x256xf32>
    %dot_general3A_762 = arith.constant dense<0.000000e+00> : vector<68x256xf32>
    %dot_general3A_763 = tpu.matmul %slice3A_761, %get3A_622, %dot_general3A_762 {dimension_numbers = #tpu.dot_dimension_numbers<[1], [0], [0], [1], [0, 0, 1, 1], [], []>, transpose_lhs_hint = false} : vector<68x256xf32>, vector<256x256xf32>, vector<68x256xf32> -> vector<68x256xf32>
    %slice3A_764 = vector.extract_strided_slice %max3A_619 {offsets = [0, 12032], sizes = [68, 256], strides = [1, 1]} : vector<68x16384xf32> to vector<68x256xf32>
    %dot_general3A_765 = arith.constant dense<0.000000e+00> : vector<68x256xf32>
    %dot_general3A_766 = tpu.matmul %slice3A_764, %get3A_622, %dot_general3A_765 {dimension_numbers = #tpu.dot_dimension_numbers<[1], [0], [0], [1], [0, 0, 1, 1], [], []>, transpose_lhs_hint = false} : vector<68x256xf32>, vector<256x256xf32>, vector<68x256xf32> -> vector<68x256xf32>
    %slice3A_767 = vector.extract_strided_slice %max3A_619 {offsets = [0, 12288], sizes = [68, 256], strides = [1, 1]} : vector<68x16384xf32> to vector<68x256xf32>
    %dot_general3A_768 = arith.constant dense<0.000000e+00> : vector<68x256xf32>
    %dot_general3A_769 = tpu.matmul %slice3A_767, %get3A_622, %dot_general3A_768 {dimension_numbers = #tpu.dot_dimension_numbers<[1], [0], [0], [1], [0, 0, 1, 1], [], []>, transpose_lhs_hint = false} : vector<68x256xf32>, vector<256x256xf32>, vector<68x256xf32> -> vector<68x256xf32>
    %slice3A_770 = vector.extract_strided_slice %max3A_619 {offsets = [0, 12544], sizes = [68, 256], strides = [1, 1]} : vector<68x16384xf32> to vector<68x256xf32>
    %dot_general3A_771 = arith.constant dense<0.000000e+00> : vector<68x256xf32>
    %dot_general3A_772 = tpu.matmul %slice3A_770, %get3A_622, %dot_general3A_771 {dimension_numbers = #tpu.dot_dimension_numbers<[1], [0], [0], [1], [0, 0, 1, 1], [], []>, transpose_lhs_hint = false} : vector<68x256xf32>, vector<256x256xf32>, vector<68x256xf32> -> vector<68x256xf32>
    %slice3A_773 = vector.extract_strided_slice %max3A_619 {offsets = [0, 12800], sizes = [68, 256], strides = [1, 1]} : vector<68x16384xf32> to vector<68x256xf32>
    %dot_general3A_774 = arith.constant dense<0.000000e+00> : vector<68x256xf32>
    %dot_general3A_775 = tpu.matmul %slice3A_773, %get3A_622, %dot_general3A_774 {dimension_numbers = #tpu.dot_dimension_numbers<[1], [0], [0], [1], [0, 0, 1, 1], [], []>, transpose_lhs_hint = false} : vector<68x256xf32>, vector<256x256xf32>, vector<68x256xf32> -> vector<68x256xf32>
    %slice3A_776 = vector.extract_strided_slice %max3A_619 {offsets = [0, 13056], sizes = [68, 256], strides = [1, 1]} : vector<68x16384xf32> to vector<68x256xf32>
    %dot_general3A_777 = arith.constant dense<0.000000e+00> : vector<68x256xf32>
    %dot_general3A_778 = tpu.matmul %slice3A_776, %get3A_622, %dot_general3A_777 {dimension_numbers = #tpu.dot_dimension_numbers<[1], [0], [0], [1], [0, 0, 1, 1], [], []>, transpose_lhs_hint = false} : vector<68x256xf32>, vector<256x256xf32>, vector<68x256xf32> -> vector<68x256xf32>
    %slice3A_779 = vector.extract_strided_slice %max3A_619 {offsets = [0, 13312], sizes = [68, 256], strides = [1, 1]} : vector<68x16384xf32> to vector<68x256xf32>
    %dot_general3A_780 = arith.constant dense<0.000000e+00> : vector<68x256xf32>
    %dot_general3A_781 = tpu.matmul %slice3A_779, %get3A_622, %dot_general3A_780 {dimension_numbers = #tpu.dot_dimension_numbers<[1], [0], [0], [1], [0, 0, 1, 1], [], []>, transpose_lhs_hint = false} : vector<68x256xf32>, vector<256x256xf32>, vector<68x256xf32> -> vector<68x256xf32>
    %slice3A_782 = vector.extract_strided_slice %max3A_619 {offsets = [0, 13568], sizes = [68, 256], strides = [1, 1]} : vector<68x16384xf32> to vector<68x256xf32>
    %dot_general3A_783 = arith.constant dense<0.000000e+00> : vector<68x256xf32>
    %dot_general3A_784 = tpu.matmul %slice3A_782, %get3A_622, %dot_general3A_783 {dimension_numbers = #tpu.dot_dimension_numbers<[1], [0], [0], [1], [0, 0, 1, 1], [], []>, transpose_lhs_hint = false} : vector<68x256xf32>, vector<256x256xf32>, vector<68x256xf32> -> vector<68x256xf32>
    %slice3A_785 = vector.extract_strided_slice %max3A_619 {offsets = [0, 13824], sizes = [68, 256], strides = [1, 1]} : vector<68x16384xf32> to vector<68x256xf32>
    %dot_general3A_786 = arith.constant dense<0.000000e+00> : vector<68x256xf32>
    %dot_general3A_787 = tpu.matmul %slice3A_785, %get3A_622, %dot_general3A_786 {dimension_numbers = #tpu.dot_dimension_numbers<[1], [0], [0], [1], [0, 0, 1, 1], [], []>, transpose_lhs_hint = false} : vector<68x256xf32>, vector<256x256xf32>, vector<68x256xf32> -> vector<68x256xf32>
    %slice3A_788 = vector.extract_strided_slice %max3A_619 {offsets = [0, 14080], sizes = [68, 256], strides = [1, 1]} : vector<68x16384xf32> to vector<68x256xf32>
    %dot_general3A_789 = arith.constant dense<0.000000e+00> : vector<68x256xf32>
    %dot_general3A_790 = tpu.matmul %slice3A_788, %get3A_622, %dot_general3A_789 {dimension_numbers = #tpu.dot_dimension_numbers<[1], [0], [0], [1], [0, 0, 1, 1], [], []>, transpose_lhs_hint = false} : vector<68x256xf32>, vector<256x256xf32>, vector<68x256xf32> -> vector<68x256xf32>
    %slice3A_791 = vector.extract_strided_slice %max3A_619 {offsets = [0, 14336], sizes = [68, 256], strides = [1, 1]} : vector<68x16384xf32> to vector<68x256xf32>
    %dot_general3A_792 = arith.constant dense<0.000000e+00> : vector<68x256xf32>
    %dot_general3A_793 = tpu.matmul %slice3A_791, %get3A_622, %dot_general3A_792 {dimension_numbers = #tpu.dot_dimension_numbers<[1], [0], [0], [1], [0, 0, 1, 1], [], []>, transpose_lhs_hint = false} : vector<68x256xf32>, vector<256x256xf32>, vector<68x256xf32> -> vector<68x256xf32>
    %slice3A_794 = vector.extract_strided_slice %max3A_619 {offsets = [0, 14592], sizes = [68, 256], strides = [1, 1]} : vector<68x16384xf32> to vector<68x256xf32>
    %dot_general3A_795 = arith.constant dense<0.000000e+00> : vector<68x256xf32>
    %dot_general3A_796 = tpu.matmul %slice3A_794, %get3A_622, %dot_general3A_795 {dimension_numbers = #tpu.dot_dimension_numbers<[1], [0], [0], [1], [0, 0, 1, 1], [], []>, transpose_lhs_hint = false} : vector<68x256xf32>, vector<256x256xf32>, vector<68x256xf32> -> vector<68x256xf32>
    %slice3A_797 = vector.extract_strided_slice %max3A_619 {offsets = [0, 14848], sizes = [68, 256], strides = [1, 1]} : vector<68x16384xf32> to vector<68x256xf32>
    %dot_general3A_798 = arith.constant dense<0.000000e+00> : vector<68x256xf32>
    %dot_general3A_799 = tpu.matmul %slice3A_797, %get3A_622, %dot_general3A_798 {dimension_numbers = #tpu.dot_dimension_numbers<[1], [0], [0], [1], [0, 0, 1, 1], [], []>, transpose_lhs_hint = false} : vector<68x256xf32>, vector<256x256xf32>, vector<68x256xf32> -> vector<68x256xf32>
    %slice3A_800 = vector.extract_strided_slice %max3A_619 {offsets = [0, 15104], sizes = [68, 256], strides = [1, 1]} : vector<68x16384xf32> to vector<68x256xf32>
    %dot_general3A_801 = arith.constant dense<0.000000e+00> : vector<68x256xf32>
    %dot_general3A_802 = tpu.matmul %slice3A_800, %get3A_622, %dot_general3A_801 {dimension_numbers = #tpu.dot_dimension_numbers<[1], [0], [0], [1], [0, 0, 1, 1], [], []>, transpose_lhs_hint = false} : vector<68x256xf32>, vector<256x256xf32>, vector<68x256xf32> -> vector<68x256xf32>
    %slice3A_803 = vector.extract_strided_slice %max3A_619 {offsets = [0, 15360], sizes = [68, 256], strides = [1, 1]} : vector<68x16384xf32> to vector<68x256xf32>
    %dot_general3A_804 = arith.constant dense<0.000000e+00> : vector<68x256xf32>
    %dot_general3A_805 = tpu.matmul %slice3A_803, %get3A_622, %dot_general3A_804 {dimension_numbers = #tpu.dot_dimension_numbers<[1], [0], [0], [1], [0, 0, 1, 1], [], []>, transpose_lhs_hint = false} : vector<68x256xf32>, vector<256x256xf32>, vector<68x256xf32> -> vector<68x256xf32>
    %slice3A_806 = vector.extract_strided_slice %max3A_619 {offsets = [0, 15616], sizes = [68, 256], strides = [1, 1]} : vector<68x16384xf32> to vector<68x256xf32>
    %dot_general3A_807 = arith.constant dense<0.000000e+00> : vector<68x256xf32>
    %dot_general3A_808 = tpu.matmul %slice3A_806, %get3A_622, %dot_general3A_807 {dimension_numbers = #tpu.dot_dimension_numbers<[1], [0], [0], [1], [0, 0, 1, 1], [], []>, transpose_lhs_hint = false} : vector<68x256xf32>, vector<256x256xf32>, vector<68x256xf32> -> vector<68x256xf32>
    %slice3A_809 = vector.extract_strided_slice %max3A_619 {offsets = [0, 15872], sizes = [68, 256], strides = [1, 1]} : vector<68x16384xf32> to vector<68x256xf32>
    %dot_general3A_810 = arith.constant dense<0.000000e+00> : vector<68x256xf32>
    %dot_general3A_811 = tpu.matmul %slice3A_809, %get3A_622, %dot_general3A_810 {dimension_numbers = #tpu.dot_dimension_numbers<[1], [0], [0], [1], [0, 0, 1, 1], [], []>, transpose_lhs_hint = false} : vector<68x256xf32>, vector<256x256xf32>, vector<68x256xf32> -> vector<68x256xf32>
    %slice3A_812 = vector.extract_strided_slice %max3A_619 {offsets = [0, 16128], sizes = [68, 256], strides = [1, 1]} : vector<68x16384xf32> to vector<68x256xf32>
    %dot_general3A_813 = arith.constant dense<0.000000e+00> : vector<68x256xf32>
    %dot_general3A_814 = tpu.matmul %slice3A_812, %get3A_622, %dot_general3A_813 {dimension_numbers = #tpu.dot_dimension_numbers<[1], [0], [0], [1], [0, 0, 1, 1], [], []>, transpose_lhs_hint = false} : vector<68x256xf32>, vector<256x256xf32>, vector<68x256xf32> -> vector<68x256xf32>
    %concatenate3A_815 = tpu.concatenate %dot_general3A_625, %dot_general3A_628, %dot_general3A_631, %dot_general3A_634, %dot_general3A_637, %dot_general3A_640, %dot_general3A_643, %dot_general3A_646, %dot_general3A_649, %dot_general3A_652, %dot_general3A_655, %dot_general3A_658, %dot_general3A_661, %dot_general3A_664, %dot_general3A_667, %dot_general3A_670, %dot_general3A_673, %dot_general3A_676, %dot_general3A_679, %dot_general3A_682, %dot_general3A_685, %dot_general3A_688, %dot_general3A_691, %dot_general3A_694, %dot_general3A_697, %dot_general3A_700, %dot_general3A_703, %dot_general3A_706, %dot_general3A_709, %dot_general3A_712, %dot_general3A_715, %dot_general3A_718, %dot_general3A_721, %dot_general3A_724, %dot_general3A_727, %dot_general3A_730, %dot_general3A_733, %dot_general3A_736, %dot_general3A_739, %dot_general3A_742, %dot_general3A_745, %dot_general3A_748, %dot_general3A_751, %dot_general3A_754, %dot_general3A_757, %dot_general3A_760, %dot_general3A_763, %dot_general3A_766, %dot_general3A_769, %dot_general3A_772, %dot_general3A_775, %dot_general3A_778, %dot_general3A_781, %dot_general3A_784, %dot_general3A_787, %dot_general3A_790, %dot_general3A_793, %dot_general3A_796, %dot_general3A_799, %dot_general3A_802, %dot_general3A_805, %dot_general3A_808, %dot_general3A_811, %dot_general3A_814 in 1 : vector<68x256xf32>, vector<68x256xf32>, vector<68x256xf32>, vector<68x256xf32>, vector<68x256xf32>, vector<68x256xf32>, vector<68x256xf32>, vector<68x256xf32>, vector<68x256xf32>, vector<68x256xf32>, vector<68x256xf32>, vector<68x256xf32>, vector<68x256xf32>, vector<68x256xf32>, vector<68x256xf32>, vector<68x256xf32>, vector<68x256xf32>, vector<68x256xf32>, vector<68x256xf32>, vector<68x256xf32>, vector<68x256xf32>, vector<68x256xf32>, vector<68x256xf32>, vector<68x256xf32>, vector<68x256xf32>, vector<68x256xf32>, vector<68x256xf32>, vector<68x256xf32>, vector<68x256xf32>, vector<68x256xf32>, vector<68x256xf32>, vector<68x256xf32>, vector<68x256xf32>, vector<68x256xf32>, vector<68x256xf32>, vector<68x256xf32>, vector<68x256xf32>, vector<68x256xf32>, vector<68x256xf32>, vector<68x256xf32>, vector<68x256xf32>, vector<68x256xf32>, vector<68x256xf32>, vector<68x256xf32>, vector<68x256xf32>, vector<68x256xf32>, vector<68x256xf32>, vector<68x256xf32>, vector<68x256xf32>, vector<68x256xf32>, vector<68x256xf32>, vector<68x256xf32>, vector<68x256xf32>, vector<68x256xf32>, vector<68x256xf32>, vector<68x256xf32>, vector<68x256xf32>, vector<68x256xf32>, vector<68x256xf32>, vector<68x256xf32>, vector<68x256xf32>, vector<68x256xf32>, vector<68x256xf32>, vector<68x256xf32> -> vector<68x16384xf32>
    %dot_general3A_816 = arith.constant dense<0.000000e+00> : vector<68x16384xf32>
    %dot_general3A_817 = tpu.matmul %mul3A_24, %concatenate3A_815, %dot_general3A_816 {dimension_numbers = #tpu.dot_dimension_numbers<[1], [0], [0], [1], [0, 0, 1, 1], [], []>, transpose_lhs_hint = false} : vector<68x68xf32>, vector<68x16384xf32>, vector<68x16384xf32> -> vector<68x16384xf32>
    %add3A_818 = vector.broadcast %tile3A_415 : vector<1x16384xf32> to vector<68x16384xf32>
    %add3A_819 = arith.addf %dot_general3A_817, %add3A_818 : vector<68x16384xf32>
    %max3A_820 = arith.constant 0.000000e+00 : f32
    %max3A_821 = vector.broadcast %max3A_820 : f32 to vector<68x16384xf32>
    %max3A_822 = arith.maximumf %add3A_819, %max3A_821 : vector<68x16384xf32>
    %get3A_823 = arith.constant 0 : index
    %get3A_824 = arith.constant 0 : index
    %get3A_825 = vector.load %arg6[%get3A_823, %get3A_824] : memref<256x256xf32, #tpu.memory_space<vmem>>, vector<256x256xf32>
    %slice3A_826 = vector.extract_strided_slice %max3A_822 {offsets = [0, 0], sizes = [68, 256], strides = [1, 1]} : vector<68x16384xf32> to vector<68x256xf32>
    %dot_general3A_827 = arith.constant dense<0.000000e+00> : vector<68x256xf32>
    %dot_general3A_828 = tpu.matmul %slice3A_826, %get3A_825, %dot_general3A_827 {dimension_numbers = #tpu.dot_dimension_numbers<[1], [0], [0], [1], [0, 0, 1, 1], [], []>, transpose_lhs_hint = false} : vector<68x256xf32>, vector<256x256xf32>, vector<68x256xf32> -> vector<68x256xf32>
    %slice3A_829 = vector.extract_strided_slice %max3A_822 {offsets = [0, 256], sizes = [68, 256], strides = [1, 1]} : vector<68x16384xf32> to vector<68x256xf32>
    %dot_general3A_830 = arith.constant dense<0.000000e+00> : vector<68x256xf32>
    %dot_general3A_831 = tpu.matmul %slice3A_829, %get3A_825, %dot_general3A_830 {dimension_numbers = #tpu.dot_dimension_numbers<[1], [0], [0], [1], [0, 0, 1, 1], [], []>, transpose_lhs_hint = false} : vector<68x256xf32>, vector<256x256xf32>, vector<68x256xf32> -> vector<68x256xf32>
    %slice3A_832 = vector.extract_strided_slice %max3A_822 {offsets = [0, 512], sizes = [68, 256], strides = [1, 1]} : vector<68x16384xf32> to vector<68x256xf32>
    %dot_general3A_833 = arith.constant dense<0.000000e+00> : vector<68x256xf32>
    %dot_general3A_834 = tpu.matmul %slice3A_832, %get3A_825, %dot_general3A_833 {dimension_numbers = #tpu.dot_dimension_numbers<[1], [0], [0], [1], [0, 0, 1, 1], [], []>, transpose_lhs_hint = false} : vector<68x256xf32>, vector<256x256xf32>, vector<68x256xf32> -> vector<68x256xf32>
    %slice3A_835 = vector.extract_strided_slice %max3A_822 {offsets = [0, 768], sizes = [68, 256], strides = [1, 1]} : vector<68x16384xf32> to vector<68x256xf32>
    %dot_general3A_836 = arith.constant dense<0.000000e+00> : vector<68x256xf32>
    %dot_general3A_837 = tpu.matmul %slice3A_835, %get3A_825, %dot_general3A_836 {dimension_numbers = #tpu.dot_dimension_numbers<[1], [0], [0], [1], [0, 0, 1, 1], [], []>, transpose_lhs_hint = false} : vector<68x256xf32>, vector<256x256xf32>, vector<68x256xf32> -> vector<68x256xf32>
    %slice3A_838 = vector.extract_strided_slice %max3A_822 {offsets = [0, 1024], sizes = [68, 256], strides = [1, 1]} : vector<68x16384xf32> to vector<68x256xf32>
    %dot_general3A_839 = arith.constant dense<0.000000e+00> : vector<68x256xf32>
    %dot_general3A_840 = tpu.matmul %slice3A_838, %get3A_825, %dot_general3A_839 {dimension_numbers = #tpu.dot_dimension_numbers<[1], [0], [0], [1], [0, 0, 1, 1], [], []>, transpose_lhs_hint = false} : vector<68x256xf32>, vector<256x256xf32>, vector<68x256xf32> -> vector<68x256xf32>
    %slice3A_841 = vector.extract_strided_slice %max3A_822 {offsets = [0, 1280], sizes = [68, 256], strides = [1, 1]} : vector<68x16384xf32> to vector<68x256xf32>
    %dot_general3A_842 = arith.constant dense<0.000000e+00> : vector<68x256xf32>
    %dot_general3A_843 = tpu.matmul %slice3A_841, %get3A_825, %dot_general3A_842 {dimension_numbers = #tpu.dot_dimension_numbers<[1], [0], [0], [1], [0, 0, 1, 1], [], []>, transpose_lhs_hint = false} : vector<68x256xf32>, vector<256x256xf32>, vector<68x256xf32> -> vector<68x256xf32>
    %slice3A_844 = vector.extract_strided_slice %max3A_822 {offsets = [0, 1536], sizes = [68, 256], strides = [1, 1]} : vector<68x16384xf32> to vector<68x256xf32>
    %dot_general3A_845 = arith.constant dense<0.000000e+00> : vector<68x256xf32>
    %dot_general3A_846 = tpu.matmul %slice3A_844, %get3A_825, %dot_general3A_845 {dimension_numbers = #tpu.dot_dimension_numbers<[1], [0], [0], [1], [0, 0, 1, 1], [], []>, transpose_lhs_hint = false} : vector<68x256xf32>, vector<256x256xf32>, vector<68x256xf32> -> vector<68x256xf32>
    %slice3A_847 = vector.extract_strided_slice %max3A_822 {offsets = [0, 1792], sizes = [68, 256], strides = [1, 1]} : vector<68x16384xf32> to vector<68x256xf32>
    %dot_general3A_848 = arith.constant dense<0.000000e+00> : vector<68x256xf32>
    %dot_general3A_849 = tpu.matmul %slice3A_847, %get3A_825, %dot_general3A_848 {dimension_numbers = #tpu.dot_dimension_numbers<[1], [0], [0], [1], [0, 0, 1, 1], [], []>, transpose_lhs_hint = false} : vector<68x256xf32>, vector<256x256xf32>, vector<68x256xf32> -> vector<68x256xf32>
    %slice3A_850 = vector.extract_strided_slice %max3A_822 {offsets = [0, 2048], sizes = [68, 256], strides = [1, 1]} : vector<68x16384xf32> to vector<68x256xf32>
    %dot_general3A_851 = arith.constant dense<0.000000e+00> : vector<68x256xf32>
    %dot_general3A_852 = tpu.matmul %slice3A_850, %get3A_825, %dot_general3A_851 {dimension_numbers = #tpu.dot_dimension_numbers<[1], [0], [0], [1], [0, 0, 1, 1], [], []>, transpose_lhs_hint = false} : vector<68x256xf32>, vector<256x256xf32>, vector<68x256xf32> -> vector<68x256xf32>
    %slice3A_853 = vector.extract_strided_slice %max3A_822 {offsets = [0, 2304], sizes = [68, 256], strides = [1, 1]} : vector<68x16384xf32> to vector<68x256xf32>
    %dot_general3A_854 = arith.constant dense<0.000000e+00> : vector<68x256xf32>
    %dot_general3A_855 = tpu.matmul %slice3A_853, %get3A_825, %dot_general3A_854 {dimension_numbers = #tpu.dot_dimension_numbers<[1], [0], [0], [1], [0, 0, 1, 1], [], []>, transpose_lhs_hint = false} : vector<68x256xf32>, vector<256x256xf32>, vector<68x256xf32> -> vector<68x256xf32>
    %slice3A_856 = vector.extract_strided_slice %max3A_822 {offsets = [0, 2560], sizes = [68, 256], strides = [1, 1]} : vector<68x16384xf32> to vector<68x256xf32>
    %dot_general3A_857 = arith.constant dense<0.000000e+00> : vector<68x256xf32>
    %dot_general3A_858 = tpu.matmul %slice3A_856, %get3A_825, %dot_general3A_857 {dimension_numbers = #tpu.dot_dimension_numbers<[1], [0], [0], [1], [0, 0, 1, 1], [], []>, transpose_lhs_hint = false} : vector<68x256xf32>, vector<256x256xf32>, vector<68x256xf32> -> vector<68x256xf32>
    %slice3A_859 = vector.extract_strided_slice %max3A_822 {offsets = [0, 2816], sizes = [68, 256], strides = [1, 1]} : vector<68x16384xf32> to vector<68x256xf32>
    %dot_general3A_860 = arith.constant dense<0.000000e+00> : vector<68x256xf32>
    %dot_general3A_861 = tpu.matmul %slice3A_859, %get3A_825, %dot_general3A_860 {dimension_numbers = #tpu.dot_dimension_numbers<[1], [0], [0], [1], [0, 0, 1, 1], [], []>, transpose_lhs_hint = false} : vector<68x256xf32>, vector<256x256xf32>, vector<68x256xf32> -> vector<68x256xf32>
    %slice3A_862 = vector.extract_strided_slice %max3A_822 {offsets = [0, 3072], sizes = [68, 256], strides = [1, 1]} : vector<68x16384xf32> to vector<68x256xf32>
    %dot_general3A_863 = arith.constant dense<0.000000e+00> : vector<68x256xf32>
    %dot_general3A_864 = tpu.matmul %slice3A_862, %get3A_825, %dot_general3A_863 {dimension_numbers = #tpu.dot_dimension_numbers<[1], [0], [0], [1], [0, 0, 1, 1], [], []>, transpose_lhs_hint = false} : vector<68x256xf32>, vector<256x256xf32>, vector<68x256xf32> -> vector<68x256xf32>
    %slice3A_865 = vector.extract_strided_slice %max3A_822 {offsets = [0, 3328], sizes = [68, 256], strides = [1, 1]} : vector<68x16384xf32> to vector<68x256xf32>
    %dot_general3A_866 = arith.constant dense<0.000000e+00> : vector<68x256xf32>
    %dot_general3A_867 = tpu.matmul %slice3A_865, %get3A_825, %dot_general3A_866 {dimension_numbers = #tpu.dot_dimension_numbers<[1], [0], [0], [1], [0, 0, 1, 1], [], []>, transpose_lhs_hint = false} : vector<68x256xf32>, vector<256x256xf32>, vector<68x256xf32> -> vector<68x256xf32>
    %slice3A_868 = vector.extract_strided_slice %max3A_822 {offsets = [0, 3584], sizes = [68, 256], strides = [1, 1]} : vector<68x16384xf32> to vector<68x256xf32>
    %dot_general3A_869 = arith.constant dense<0.000000e+00> : vector<68x256xf32>
    %dot_general3A_870 = tpu.matmul %slice3A_868, %get3A_825, %dot_general3A_869 {dimension_numbers = #tpu.dot_dimension_numbers<[1], [0], [0], [1], [0, 0, 1, 1], [], []>, transpose_lhs_hint = false} : vector<68x256xf32>, vector<256x256xf32>, vector<68x256xf32> -> vector<68x256xf32>
    %slice3A_871 = vector.extract_strided_slice %max3A_822 {offsets = [0, 3840], sizes = [68, 256], strides = [1, 1]} : vector<68x16384xf32> to vector<68x256xf32>
    %dot_general3A_872 = arith.constant dense<0.000000e+00> : vector<68x256xf32>
    %dot_general3A_873 = tpu.matmul %slice3A_871, %get3A_825, %dot_general3A_872 {dimension_numbers = #tpu.dot_dimension_numbers<[1], [0], [0], [1], [0, 0, 1, 1], [], []>, transpose_lhs_hint = false} : vector<68x256xf32>, vector<256x256xf32>, vector<68x256xf32> -> vector<68x256xf32>
    %slice3A_874 = vector.extract_strided_slice %max3A_822 {offsets = [0, 4096], sizes = [68, 256], strides = [1, 1]} : vector<68x16384xf32> to vector<68x256xf32>
    %dot_general3A_875 = arith.constant dense<0.000000e+00> : vector<68x256xf32>
    %dot_general3A_876 = tpu.matmul %slice3A_874, %get3A_825, %dot_general3A_875 {dimension_numbers = #tpu.dot_dimension_numbers<[1], [0], [0], [1], [0, 0, 1, 1], [], []>, transpose_lhs_hint = false} : vector<68x256xf32>, vector<256x256xf32>, vector<68x256xf32> -> vector<68x256xf32>
    %slice3A_877 = vector.extract_strided_slice %max3A_822 {offsets = [0, 4352], sizes = [68, 256], strides = [1, 1]} : vector<68x16384xf32> to vector<68x256xf32>
    %dot_general3A_878 = arith.constant dense<0.000000e+00> : vector<68x256xf32>
    %dot_general3A_879 = tpu.matmul %slice3A_877, %get3A_825, %dot_general3A_878 {dimension_numbers = #tpu.dot_dimension_numbers<[1], [0], [0], [1], [0, 0, 1, 1], [], []>, transpose_lhs_hint = false} : vector<68x256xf32>, vector<256x256xf32>, vector<68x256xf32> -> vector<68x256xf32>
    %slice3A_880 = vector.extract_strided_slice %max3A_822 {offsets = [0, 4608], sizes = [68, 256], strides = [1, 1]} : vector<68x16384xf32> to vector<68x256xf32>
    %dot_general3A_881 = arith.constant dense<0.000000e+00> : vector<68x256xf32>
    %dot_general3A_882 = tpu.matmul %slice3A_880, %get3A_825, %dot_general3A_881 {dimension_numbers = #tpu.dot_dimension_numbers<[1], [0], [0], [1], [0, 0, 1, 1], [], []>, transpose_lhs_hint = false} : vector<68x256xf32>, vector<256x256xf32>, vector<68x256xf32> -> vector<68x256xf32>
    %slice3A_883 = vector.extract_strided_slice %max3A_822 {offsets = [0, 4864], sizes = [68, 256], strides = [1, 1]} : vector<68x16384xf32> to vector<68x256xf32>
    %dot_general3A_884 = arith.constant dense<0.000000e+00> : vector<68x256xf32>
    %dot_general3A_885 = tpu.matmul %slice3A_883, %get3A_825, %dot_general3A_884 {dimension_numbers = #tpu.dot_dimension_numbers<[1], [0], [0], [1], [0, 0, 1, 1], [], []>, transpose_lhs_hint = false} : vector<68x256xf32>, vector<256x256xf32>, vector<68x256xf32> -> vector<68x256xf32>
    %slice3A_886 = vector.extract_strided_slice %max3A_822 {offsets = [0, 5120], sizes = [68, 256], strides = [1, 1]} : vector<68x16384xf32> to vector<68x256xf32>
    %dot_general3A_887 = arith.constant dense<0.000000e+00> : vector<68x256xf32>
    %dot_general3A_888 = tpu.matmul %slice3A_886, %get3A_825, %dot_general3A_887 {dimension_numbers = #tpu.dot_dimension_numbers<[1], [0], [0], [1], [0, 0, 1, 1], [], []>, transpose_lhs_hint = false} : vector<68x256xf32>, vector<256x256xf32>, vector<68x256xf32> -> vector<68x256xf32>
    %slice3A_889 = vector.extract_strided_slice %max3A_822 {offsets = [0, 5376], sizes = [68, 256], strides = [1, 1]} : vector<68x16384xf32> to vector<68x256xf32>
    %dot_general3A_890 = arith.constant dense<0.000000e+00> : vector<68x256xf32>
    %dot_general3A_891 = tpu.matmul %slice3A_889, %get3A_825, %dot_general3A_890 {dimension_numbers = #tpu.dot_dimension_numbers<[1], [0], [0], [1], [0, 0, 1, 1], [], []>, transpose_lhs_hint = false} : vector<68x256xf32>, vector<256x256xf32>, vector<68x256xf32> -> vector<68x256xf32>
    %slice3A_892 = vector.extract_strided_slice %max3A_822 {offsets = [0, 5632], sizes = [68, 256], strides = [1, 1]} : vector<68x16384xf32> to vector<68x256xf32>
    %dot_general3A_893 = arith.constant dense<0.000000e+00> : vector<68x256xf32>
    %dot_general3A_894 = tpu.matmul %slice3A_892, %get3A_825, %dot_general3A_893 {dimension_numbers = #tpu.dot_dimension_numbers<[1], [0], [0], [1], [0, 0, 1, 1], [], []>, transpose_lhs_hint = false} : vector<68x256xf32>, vector<256x256xf32>, vector<68x256xf32> -> vector<68x256xf32>
    %slice3A_895 = vector.extract_strided_slice %max3A_822 {offsets = [0, 5888], sizes = [68, 256], strides = [1, 1]} : vector<68x16384xf32> to vector<68x256xf32>
    %dot_general3A_896 = arith.constant dense<0.000000e+00> : vector<68x256xf32>
    %dot_general3A_897 = tpu.matmul %slice3A_895, %get3A_825, %dot_general3A_896 {dimension_numbers = #tpu.dot_dimension_numbers<[1], [0], [0], [1], [0, 0, 1, 1], [], []>, transpose_lhs_hint = false} : vector<68x256xf32>, vector<256x256xf32>, vector<68x256xf32> -> vector<68x256xf32>
    %slice3A_898 = vector.extract_strided_slice %max3A_822 {offsets = [0, 6144], sizes = [68, 256], strides = [1, 1]} : vector<68x16384xf32> to vector<68x256xf32>
    %dot_general3A_899 = arith.constant dense<0.000000e+00> : vector<68x256xf32>
    %dot_general3A_900 = tpu.matmul %slice3A_898, %get3A_825, %dot_general3A_899 {dimension_numbers = #tpu.dot_dimension_numbers<[1], [0], [0], [1], [0, 0, 1, 1], [], []>, transpose_lhs_hint = false} : vector<68x256xf32>, vector<256x256xf32>, vector<68x256xf32> -> vector<68x256xf32>
    %slice3A_901 = vector.extract_strided_slice %max3A_822 {offsets = [0, 6400], sizes = [68, 256], strides = [1, 1]} : vector<68x16384xf32> to vector<68x256xf32>
    %dot_general3A_902 = arith.constant dense<0.000000e+00> : vector<68x256xf32>
    %dot_general3A_903 = tpu.matmul %slice3A_901, %get3A_825, %dot_general3A_902 {dimension_numbers = #tpu.dot_dimension_numbers<[1], [0], [0], [1], [0, 0, 1, 1], [], []>, transpose_lhs_hint = false} : vector<68x256xf32>, vector<256x256xf32>, vector<68x256xf32> -> vector<68x256xf32>
    %slice3A_904 = vector.extract_strided_slice %max3A_822 {offsets = [0, 6656], sizes = [68, 256], strides = [1, 1]} : vector<68x16384xf32> to vector<68x256xf32>
    %dot_general3A_905 = arith.constant dense<0.000000e+00> : vector<68x256xf32>
    %dot_general3A_906 = tpu.matmul %slice3A_904, %get3A_825, %dot_general3A_905 {dimension_numbers = #tpu.dot_dimension_numbers<[1], [0], [0], [1], [0, 0, 1, 1], [], []>, transpose_lhs_hint = false} : vector<68x256xf32>, vector<256x256xf32>, vector<68x256xf32> -> vector<68x256xf32>
    %slice3A_907 = vector.extract_strided_slice %max3A_822 {offsets = [0, 6912], sizes = [68, 256], strides = [1, 1]} : vector<68x16384xf32> to vector<68x256xf32>
    %dot_general3A_908 = arith.constant dense<0.000000e+00> : vector<68x256xf32>
    %dot_general3A_909 = tpu.matmul %slice3A_907, %get3A_825, %dot_general3A_908 {dimension_numbers = #tpu.dot_dimension_numbers<[1], [0], [0], [1], [0, 0, 1, 1], [], []>, transpose_lhs_hint = false} : vector<68x256xf32>, vector<256x256xf32>, vector<68x256xf32> -> vector<68x256xf32>
    %slice3A_910 = vector.extract_strided_slice %max3A_822 {offsets = [0, 7168], sizes = [68, 256], strides = [1, 1]} : vector<68x16384xf32> to vector<68x256xf32>
    %dot_general3A_911 = arith.constant dense<0.000000e+00> : vector<68x256xf32>
    %dot_general3A_912 = tpu.matmul %slice3A_910, %get3A_825, %dot_general3A_911 {dimension_numbers = #tpu.dot_dimension_numbers<[1], [0], [0], [1], [0, 0, 1, 1], [], []>, transpose_lhs_hint = false} : vector<68x256xf32>, vector<256x256xf32>, vector<68x256xf32> -> vector<68x256xf32>
    %slice3A_913 = vector.extract_strided_slice %max3A_822 {offsets = [0, 7424], sizes = [68, 256], strides = [1, 1]} : vector<68x16384xf32> to vector<68x256xf32>
    %dot_general3A_914 = arith.constant dense<0.000000e+00> : vector<68x256xf32>
    %dot_general3A_915 = tpu.matmul %slice3A_913, %get3A_825, %dot_general3A_914 {dimension_numbers = #tpu.dot_dimension_numbers<[1], [0], [0], [1], [0, 0, 1, 1], [], []>, transpose_lhs_hint = false} : vector<68x256xf32>, vector<256x256xf32>, vector<68x256xf32> -> vector<68x256xf32>
    %slice3A_916 = vector.extract_strided_slice %max3A_822 {offsets = [0, 7680], sizes = [68, 256], strides = [1, 1]} : vector<68x16384xf32> to vector<68x256xf32>
    %dot_general3A_917 = arith.constant dense<0.000000e+00> : vector<68x256xf32>
    %dot_general3A_918 = tpu.matmul %slice3A_916, %get3A_825, %dot_general3A_917 {dimension_numbers = #tpu.dot_dimension_numbers<[1], [0], [0], [1], [0, 0, 1, 1], [], []>, transpose_lhs_hint = false} : vector<68x256xf32>, vector<256x256xf32>, vector<68x256xf32> -> vector<68x256xf32>
    %slice3A_919 = vector.extract_strided_slice %max3A_822 {offsets = [0, 7936], sizes = [68, 256], strides = [1, 1]} : vector<68x16384xf32> to vector<68x256xf32>
    %dot_general3A_920 = arith.constant dense<0.000000e+00> : vector<68x256xf32>
    %dot_general3A_921 = tpu.matmul %slice3A_919, %get3A_825, %dot_general3A_920 {dimension_numbers = #tpu.dot_dimension_numbers<[1], [0], [0], [1], [0, 0, 1, 1], [], []>, transpose_lhs_hint = false} : vector<68x256xf32>, vector<256x256xf32>, vector<68x256xf32> -> vector<68x256xf32>
    %slice3A_922 = vector.extract_strided_slice %max3A_822 {offsets = [0, 8192], sizes = [68, 256], strides = [1, 1]} : vector<68x16384xf32> to vector<68x256xf32>
    %dot_general3A_923 = arith.constant dense<0.000000e+00> : vector<68x256xf32>
    %dot_general3A_924 = tpu.matmul %slice3A_922, %get3A_825, %dot_general3A_923 {dimension_numbers = #tpu.dot_dimension_numbers<[1], [0], [0], [1], [0, 0, 1, 1], [], []>, transpose_lhs_hint = false} : vector<68x256xf32>, vector<256x256xf32>, vector<68x256xf32> -> vector<68x256xf32>
    %slice3A_925 = vector.extract_strided_slice %max3A_822 {offsets = [0, 8448], sizes = [68, 256], strides = [1, 1]} : vector<68x16384xf32> to vector<68x256xf32>
    %dot_general3A_926 = arith.constant dense<0.000000e+00> : vector<68x256xf32>
    %dot_general3A_927 = tpu.matmul %slice3A_925, %get3A_825, %dot_general3A_926 {dimension_numbers = #tpu.dot_dimension_numbers<[1], [0], [0], [1], [0, 0, 1, 1], [], []>, transpose_lhs_hint = false} : vector<68x256xf32>, vector<256x256xf32>, vector<68x256xf32> -> vector<68x256xf32>
    %slice3A_928 = vector.extract_strided_slice %max3A_822 {offsets = [0, 8704], sizes = [68, 256], strides = [1, 1]} : vector<68x16384xf32> to vector<68x256xf32>
    %dot_general3A_929 = arith.constant dense<0.000000e+00> : vector<68x256xf32>
    %dot_general3A_930 = tpu.matmul %slice3A_928, %get3A_825, %dot_general3A_929 {dimension_numbers = #tpu.dot_dimension_numbers<[1], [0], [0], [1], [0, 0, 1, 1], [], []>, transpose_lhs_hint = false} : vector<68x256xf32>, vector<256x256xf32>, vector<68x256xf32> -> vector<68x256xf32>
    %slice3A_931 = vector.extract_strided_slice %max3A_822 {offsets = [0, 8960], sizes = [68, 256], strides = [1, 1]} : vector<68x16384xf32> to vector<68x256xf32>
    %dot_general3A_932 = arith.constant dense<0.000000e+00> : vector<68x256xf32>
    %dot_general3A_933 = tpu.matmul %slice3A_931, %get3A_825, %dot_general3A_932 {dimension_numbers = #tpu.dot_dimension_numbers<[1], [0], [0], [1], [0, 0, 1, 1], [], []>, transpose_lhs_hint = false} : vector<68x256xf32>, vector<256x256xf32>, vector<68x256xf32> -> vector<68x256xf32>
    %slice3A_934 = vector.extract_strided_slice %max3A_822 {offsets = [0, 9216], sizes = [68, 256], strides = [1, 1]} : vector<68x16384xf32> to vector<68x256xf32>
    %dot_general3A_935 = arith.constant dense<0.000000e+00> : vector<68x256xf32>
    %dot_general3A_936 = tpu.matmul %slice3A_934, %get3A_825, %dot_general3A_935 {dimension_numbers = #tpu.dot_dimension_numbers<[1], [0], [0], [1], [0, 0, 1, 1], [], []>, transpose_lhs_hint = false} : vector<68x256xf32>, vector<256x256xf32>, vector<68x256xf32> -> vector<68x256xf32>
    %slice3A_937 = vector.extract_strided_slice %max3A_822 {offsets = [0, 9472], sizes = [68, 256], strides = [1, 1]} : vector<68x16384xf32> to vector<68x256xf32>
    %dot_general3A_938 = arith.constant dense<0.000000e+00> : vector<68x256xf32>
    %dot_general3A_939 = tpu.matmul %slice3A_937, %get3A_825, %dot_general3A_938 {dimension_numbers = #tpu.dot_dimension_numbers<[1], [0], [0], [1], [0, 0, 1, 1], [], []>, transpose_lhs_hint = false} : vector<68x256xf32>, vector<256x256xf32>, vector<68x256xf32> -> vector<68x256xf32>
    %slice3A_940 = vector.extract_strided_slice %max3A_822 {offsets = [0, 9728], sizes = [68, 256], strides = [1, 1]} : vector<68x16384xf32> to vector<68x256xf32>
    %dot_general3A_941 = arith.constant dense<0.000000e+00> : vector<68x256xf32>
    %dot_general3A_942 = tpu.matmul %slice3A_940, %get3A_825, %dot_general3A_941 {dimension_numbers = #tpu.dot_dimension_numbers<[1], [0], [0], [1], [0, 0, 1, 1], [], []>, transpose_lhs_hint = false} : vector<68x256xf32>, vector<256x256xf32>, vector<68x256xf32> -> vector<68x256xf32>
    %slice3A_943 = vector.extract_strided_slice %max3A_822 {offsets = [0, 9984], sizes = [68, 256], strides = [1, 1]} : vector<68x16384xf32> to vector<68x256xf32>
    %dot_general3A_944 = arith.constant dense<0.000000e+00> : vector<68x256xf32>
    %dot_general3A_945 = tpu.matmul %slice3A_943, %get3A_825, %dot_general3A_944 {dimension_numbers = #tpu.dot_dimension_numbers<[1], [0], [0], [1], [0, 0, 1, 1], [], []>, transpose_lhs_hint = false} : vector<68x256xf32>, vector<256x256xf32>, vector<68x256xf32> -> vector<68x256xf32>
    %slice3A_946 = vector.extract_strided_slice %max3A_822 {offsets = [0, 10240], sizes = [68, 256], strides = [1, 1]} : vector<68x16384xf32> to vector<68x256xf32>
    %dot_general3A_947 = arith.constant dense<0.000000e+00> : vector<68x256xf32>
    %dot_general3A_948 = tpu.matmul %slice3A_946, %get3A_825, %dot_general3A_947 {dimension_numbers = #tpu.dot_dimension_numbers<[1], [0], [0], [1], [0, 0, 1, 1], [], []>, transpose_lhs_hint = false} : vector<68x256xf32>, vector<256x256xf32>, vector<68x256xf32> -> vector<68x256xf32>
    %slice3A_949 = vector.extract_strided_slice %max3A_822 {offsets = [0, 10496], sizes = [68, 256], strides = [1, 1]} : vector<68x16384xf32> to vector<68x256xf32>
    %dot_general3A_950 = arith.constant dense<0.000000e+00> : vector<68x256xf32>
    %dot_general3A_951 = tpu.matmul %slice3A_949, %get3A_825, %dot_general3A_950 {dimension_numbers = #tpu.dot_dimension_numbers<[1], [0], [0], [1], [0, 0, 1, 1], [], []>, transpose_lhs_hint = false} : vector<68x256xf32>, vector<256x256xf32>, vector<68x256xf32> -> vector<68x256xf32>
    %slice3A_952 = vector.extract_strided_slice %max3A_822 {offsets = [0, 10752], sizes = [68, 256], strides = [1, 1]} : vector<68x16384xf32> to vector<68x256xf32>
    %dot_general3A_953 = arith.constant dense<0.000000e+00> : vector<68x256xf32>
    %dot_general3A_954 = tpu.matmul %slice3A_952, %get3A_825, %dot_general3A_953 {dimension_numbers = #tpu.dot_dimension_numbers<[1], [0], [0], [1], [0, 0, 1, 1], [], []>, transpose_lhs_hint = false} : vector<68x256xf32>, vector<256x256xf32>, vector<68x256xf32> -> vector<68x256xf32>
    %slice3A_955 = vector.extract_strided_slice %max3A_822 {offsets = [0, 11008], sizes = [68, 256], strides = [1, 1]} : vector<68x16384xf32> to vector<68x256xf32>
    %dot_general3A_956 = arith.constant dense<0.000000e+00> : vector<68x256xf32>
    %dot_general3A_957 = tpu.matmul %slice3A_955, %get3A_825, %dot_general3A_956 {dimension_numbers = #tpu.dot_dimension_numbers<[1], [0], [0], [1], [0, 0, 1, 1], [], []>, transpose_lhs_hint = false} : vector<68x256xf32>, vector<256x256xf32>, vector<68x256xf32> -> vector<68x256xf32>
    %slice3A_958 = vector.extract_strided_slice %max3A_822 {offsets = [0, 11264], sizes = [68, 256], strides = [1, 1]} : vector<68x16384xf32> to vector<68x256xf32>
    %dot_general3A_959 = arith.constant dense<0.000000e+00> : vector<68x256xf32>
    %dot_general3A_960 = tpu.matmul %slice3A_958, %get3A_825, %dot_general3A_959 {dimension_numbers = #tpu.dot_dimension_numbers<[1], [0], [0], [1], [0, 0, 1, 1], [], []>, transpose_lhs_hint = false} : vector<68x256xf32>, vector<256x256xf32>, vector<68x256xf32> -> vector<68x256xf32>
    %slice3A_961 = vector.extract_strided_slice %max3A_822 {offsets = [0, 11520], sizes = [68, 256], strides = [1, 1]} : vector<68x16384xf32> to vector<68x256xf32>
    %dot_general3A_962 = arith.constant dense<0.000000e+00> : vector<68x256xf32>
    %dot_general3A_963 = tpu.matmul %slice3A_961, %get3A_825, %dot_general3A_962 {dimension_numbers = #tpu.dot_dimension_numbers<[1], [0], [0], [1], [0, 0, 1, 1], [], []>, transpose_lhs_hint = false} : vector<68x256xf32>, vector<256x256xf32>, vector<68x256xf32> -> vector<68x256xf32>
    %slice3A_964 = vector.extract_strided_slice %max3A_822 {offsets = [0, 11776], sizes = [68, 256], strides = [1, 1]} : vector<68x16384xf32> to vector<68x256xf32>
    %dot_general3A_965 = arith.constant dense<0.000000e+00> : vector<68x256xf32>
    %dot_general3A_966 = tpu.matmul %slice3A_964, %get3A_825, %dot_general3A_965 {dimension_numbers = #tpu.dot_dimension_numbers<[1], [0], [0], [1], [0, 0, 1, 1], [], []>, transpose_lhs_hint = false} : vector<68x256xf32>, vector<256x256xf32>, vector<68x256xf32> -> vector<68x256xf32>
    %slice3A_967 = vector.extract_strided_slice %max3A_822 {offsets = [0, 12032], sizes = [68, 256], strides = [1, 1]} : vector<68x16384xf32> to vector<68x256xf32>
    %dot_general3A_968 = arith.constant dense<0.000000e+00> : vector<68x256xf32>
    %dot_general3A_969 = tpu.matmul %slice3A_967, %get3A_825, %dot_general3A_968 {dimension_numbers = #tpu.dot_dimension_numbers<[1], [0], [0], [1], [0, 0, 1, 1], [], []>, transpose_lhs_hint = false} : vector<68x256xf32>, vector<256x256xf32>, vector<68x256xf32> -> vector<68x256xf32>
    %slice3A_970 = vector.extract_strided_slice %max3A_822 {offsets = [0, 12288], sizes = [68, 256], strides = [1, 1]} : vector<68x16384xf32> to vector<68x256xf32>
    %dot_general3A_971 = arith.constant dense<0.000000e+00> : vector<68x256xf32>
    %dot_general3A_972 = tpu.matmul %slice3A_970, %get3A_825, %dot_general3A_971 {dimension_numbers = #tpu.dot_dimension_numbers<[1], [0], [0], [1], [0, 0, 1, 1], [], []>, transpose_lhs_hint = false} : vector<68x256xf32>, vector<256x256xf32>, vector<68x256xf32> -> vector<68x256xf32>
    %slice3A_973 = vector.extract_strided_slice %max3A_822 {offsets = [0, 12544], sizes = [68, 256], strides = [1, 1]} : vector<68x16384xf32> to vector<68x256xf32>
    %dot_general3A_974 = arith.constant dense<0.000000e+00> : vector<68x256xf32>
    %dot_general3A_975 = tpu.matmul %slice3A_973, %get3A_825, %dot_general3A_974 {dimension_numbers = #tpu.dot_dimension_numbers<[1], [0], [0], [1], [0, 0, 1, 1], [], []>, transpose_lhs_hint = false} : vector<68x256xf32>, vector<256x256xf32>, vector<68x256xf32> -> vector<68x256xf32>
    %slice3A_976 = vector.extract_strided_slice %max3A_822 {offsets = [0, 12800], sizes = [68, 256], strides = [1, 1]} : vector<68x16384xf32> to vector<68x256xf32>
    %dot_general3A_977 = arith.constant dense<0.000000e+00> : vector<68x256xf32>
    %dot_general3A_978 = tpu.matmul %slice3A_976, %get3A_825, %dot_general3A_977 {dimension_numbers = #tpu.dot_dimension_numbers<[1], [0], [0], [1], [0, 0, 1, 1], [], []>, transpose_lhs_hint = false} : vector<68x256xf32>, vector<256x256xf32>, vector<68x256xf32> -> vector<68x256xf32>
    %slice3A_979 = vector.extract_strided_slice %max3A_822 {offsets = [0, 13056], sizes = [68, 256], strides = [1, 1]} : vector<68x16384xf32> to vector<68x256xf32>
    %dot_general3A_980 = arith.constant dense<0.000000e+00> : vector<68x256xf32>
    %dot_general3A_981 = tpu.matmul %slice3A_979, %get3A_825, %dot_general3A_980 {dimension_numbers = #tpu.dot_dimension_numbers<[1], [0], [0], [1], [0, 0, 1, 1], [], []>, transpose_lhs_hint = false} : vector<68x256xf32>, vector<256x256xf32>, vector<68x256xf32> -> vector<68x256xf32>
    %slice3A_982 = vector.extract_strided_slice %max3A_822 {offsets = [0, 13312], sizes = [68, 256], strides = [1, 1]} : vector<68x16384xf32> to vector<68x256xf32>
    %dot_general3A_983 = arith.constant dense<0.000000e+00> : vector<68x256xf32>
    %dot_general3A_984 = tpu.matmul %slice3A_982, %get3A_825, %dot_general3A_983 {dimension_numbers = #tpu.dot_dimension_numbers<[1], [0], [0], [1], [0, 0, 1, 1], [], []>, transpose_lhs_hint = false} : vector<68x256xf32>, vector<256x256xf32>, vector<68x256xf32> -> vector<68x256xf32>
    %slice3A_985 = vector.extract_strided_slice %max3A_822 {offsets = [0, 13568], sizes = [68, 256], strides = [1, 1]} : vector<68x16384xf32> to vector<68x256xf32>
    %dot_general3A_986 = arith.constant dense<0.000000e+00> : vector<68x256xf32>
    %dot_general3A_987 = tpu.matmul %slice3A_985, %get3A_825, %dot_general3A_986 {dimension_numbers = #tpu.dot_dimension_numbers<[1], [0], [0], [1], [0, 0, 1, 1], [], []>, transpose_lhs_hint = false} : vector<68x256xf32>, vector<256x256xf32>, vector<68x256xf32> -> vector<68x256xf32>
    %slice3A_988 = vector.extract_strided_slice %max3A_822 {offsets = [0, 13824], sizes = [68, 256], strides = [1, 1]} : vector<68x16384xf32> to vector<68x256xf32>
    %dot_general3A_989 = arith.constant dense<0.000000e+00> : vector<68x256xf32>
    %dot_general3A_990 = tpu.matmul %slice3A_988, %get3A_825, %dot_general3A_989 {dimension_numbers = #tpu.dot_dimension_numbers<[1], [0], [0], [1], [0, 0, 1, 1], [], []>, transpose_lhs_hint = false} : vector<68x256xf32>, vector<256x256xf32>, vector<68x256xf32> -> vector<68x256xf32>
    %slice3A_991 = vector.extract_strided_slice %max3A_822 {offsets = [0, 14080], sizes = [68, 256], strides = [1, 1]} : vector<68x16384xf32> to vector<68x256xf32>
    %dot_general3A_992 = arith.constant dense<0.000000e+00> : vector<68x256xf32>
    %dot_general3A_993 = tpu.matmul %slice3A_991, %get3A_825, %dot_general3A_992 {dimension_numbers = #tpu.dot_dimension_numbers<[1], [0], [0], [1], [0, 0, 1, 1], [], []>, transpose_lhs_hint = false} : vector<68x256xf32>, vector<256x256xf32>, vector<68x256xf32> -> vector<68x256xf32>
    %slice3A_994 = vector.extract_strided_slice %max3A_822 {offsets = [0, 14336], sizes = [68, 256], strides = [1, 1]} : vector<68x16384xf32> to vector<68x256xf32>
    %dot_general3A_995 = arith.constant dense<0.000000e+00> : vector<68x256xf32>
    %dot_general3A_996 = tpu.matmul %slice3A_994, %get3A_825, %dot_general3A_995 {dimension_numbers = #tpu.dot_dimension_numbers<[1], [0], [0], [1], [0, 0, 1, 1], [], []>, transpose_lhs_hint = false} : vector<68x256xf32>, vector<256x256xf32>, vector<68x256xf32> -> vector<68x256xf32>
    %slice3A_997 = vector.extract_strided_slice %max3A_822 {offsets = [0, 14592], sizes = [68, 256], strides = [1, 1]} : vector<68x16384xf32> to vector<68x256xf32>
    %dot_general3A_998 = arith.constant dense<0.000000e+00> : vector<68x256xf32>
    %dot_general3A_999 = tpu.matmul %slice3A_997, %get3A_825, %dot_general3A_998 {dimension_numbers = #tpu.dot_dimension_numbers<[1], [0], [0], [1], [0, 0, 1, 1], [], []>, transpose_lhs_hint = false} : vector<68x256xf32>, vector<256x256xf32>, vector<68x256xf32> -> vector<68x256xf32>
    %slice3A_1000 = vector.extract_strided_slice %max3A_822 {offsets = [0, 14848], sizes = [68, 256], strides = [1, 1]} : vector<68x16384xf32> to vector<68x256xf32>
    %dot_general3A_1001 = arith.constant dense<0.000000e+00> : vector<68x256xf32>
    %dot_general3A_1002 = tpu.matmul %slice3A_1000, %get3A_825, %dot_general3A_1001 {dimension_numbers = #tpu.dot_dimension_numbers<[1], [0], [0], [1], [0, 0, 1, 1], [], []>, transpose_lhs_hint = false} : vector<68x256xf32>, vector<256x256xf32>, vector<68x256xf32> -> vector<68x256xf32>
    %slice3A_1003 = vector.extract_strided_slice %max3A_822 {offsets = [0, 15104], sizes = [68, 256], strides = [1, 1]} : vector<68x16384xf32> to vector<68x256xf32>
    %dot_general3A_1004 = arith.constant dense<0.000000e+00> : vector<68x256xf32>
    %dot_general3A_1005 = tpu.matmul %slice3A_1003, %get3A_825, %dot_general3A_1004 {dimension_numbers = #tpu.dot_dimension_numbers<[1], [0], [0], [1], [0, 0, 1, 1], [], []>, transpose_lhs_hint = false} : vector<68x256xf32>, vector<256x256xf32>, vector<68x256xf32> -> vector<68x256xf32>
    %slice3A_1006 = vector.extract_strided_slice %max3A_822 {offsets = [0, 15360], sizes = [68, 256], strides = [1, 1]} : vector<68x16384xf32> to vector<68x256xf32>
    %dot_general3A_1007 = arith.constant dense<0.000000e+00> : vector<68x256xf32>
    %dot_general3A_1008 = tpu.matmul %slice3A_1006, %get3A_825, %dot_general3A_1007 {dimension_numbers = #tpu.dot_dimension_numbers<[1], [0], [0], [1], [0, 0, 1, 1], [], []>, transpose_lhs_hint = false} : vector<68x256xf32>, vector<256x256xf32>, vector<68x256xf32> -> vector<68x256xf32>
    %slice3A_1009 = vector.extract_strided_slice %max3A_822 {offsets = [0, 15616], sizes = [68, 256], strides = [1, 1]} : vector<68x16384xf32> to vector<68x256xf32>
    %dot_general3A_1010 = arith.constant dense<0.000000e+00> : vector<68x256xf32>
    %dot_general3A_1011 = tpu.matmul %slice3A_1009, %get3A_825, %dot_general3A_1010 {dimension_numbers = #tpu.dot_dimension_numbers<[1], [0], [0], [1], [0, 0, 1, 1], [], []>, transpose_lhs_hint = false} : vector<68x256xf32>, vector<256x256xf32>, vector<68x256xf32> -> vector<68x256xf32>
    %slice3A_1012 = vector.extract_strided_slice %max3A_822 {offsets = [0, 15872], sizes = [68, 256], strides = [1, 1]} : vector<68x16384xf32> to vector<68x256xf32>
    %dot_general3A_1013 = arith.constant dense<0.000000e+00> : vector<68x256xf32>
    %dot_general3A_1014 = tpu.matmul %slice3A_1012, %get3A_825, %dot_general3A_1013 {dimension_numbers = #tpu.dot_dimension_numbers<[1], [0], [0], [1], [0, 0, 1, 1], [], []>, transpose_lhs_hint = false} : vector<68x256xf32>, vector<256x256xf32>, vector<68x256xf32> -> vector<68x256xf32>
    %slice3A_1015 = vector.extract_strided_slice %max3A_822 {offsets = [0, 16128], sizes = [68, 256], strides = [1, 1]} : vector<68x16384xf32> to vector<68x256xf32>
    %dot_general3A_1016 = arith.constant dense<0.000000e+00> : vector<68x256xf32>
    %dot_general3A_1017 = tpu.matmul %slice3A_1015, %get3A_825, %dot_general3A_1016 {dimension_numbers = #tpu.dot_dimension_numbers<[1], [0], [0], [1], [0, 0, 1, 1], [], []>, transpose_lhs_hint = false} : vector<68x256xf32>, vector<256x256xf32>, vector<68x256xf32> -> vector<68x256xf32>
    %concatenate3A_1018 = tpu.concatenate %dot_general3A_828, %dot_general3A_831, %dot_general3A_834, %dot_general3A_837, %dot_general3A_840, %dot_general3A_843, %dot_general3A_846, %dot_general3A_849, %dot_general3A_852, %dot_general3A_855, %dot_general3A_858, %dot_general3A_861, %dot_general3A_864, %dot_general3A_867, %dot_general3A_870, %dot_general3A_873, %dot_general3A_876, %dot_general3A_879, %dot_general3A_882, %dot_general3A_885, %dot_general3A_888, %dot_general3A_891, %dot_general3A_894, %dot_general3A_897, %dot_general3A_900, %dot_general3A_903, %dot_general3A_906, %dot_general3A_909, %dot_general3A_912, %dot_general3A_915, %dot_general3A_918, %dot_general3A_921, %dot_general3A_924, %dot_general3A_927, %dot_general3A_930, %dot_general3A_933, %dot_general3A_936, %dot_general3A_939, %dot_general3A_942, %dot_general3A_945, %dot_general3A_948, %dot_general3A_951, %dot_general3A_954, %dot_general3A_957, %dot_general3A_960, %dot_general3A_963, %dot_general3A_966, %dot_general3A_969, %dot_general3A_972, %dot_general3A_975, %dot_general3A_978, %dot_general3A_981, %dot_general3A_984, %dot_general3A_987, %dot_general3A_990, %dot_general3A_993, %dot_general3A_996, %dot_general3A_999, %dot_general3A_1002, %dot_general3A_1005, %dot_general3A_1008, %dot_general3A_1011, %dot_general3A_1014, %dot_general3A_1017 in 1 : vector<68x256xf32>, vector<68x256xf32>, vector<68x256xf32>, vector<68x256xf32>, vector<68x256xf32>, vector<68x256xf32>, vector<68x256xf32>, vector<68x256xf32>, vector<68x256xf32>, vector<68x256xf32>, vector<68x256xf32>, vector<68x256xf32>, vector<68x256xf32>, vector<68x256xf32>, vector<68x256xf32>, vector<68x256xf32>, vector<68x256xf32>, vector<68x256xf32>, vector<68x256xf32>, vector<68x256xf32>, vector<68x256xf32>, vector<68x256xf32>, vector<68x256xf32>, vector<68x256xf32>, vector<68x256xf32>, vector<68x256xf32>, vector<68x256xf32>, vector<68x256xf32>, vector<68x256xf32>, vector<68x256xf32>, vector<68x256xf32>, vector<68x256xf32>, vector<68x256xf32>, vector<68x256xf32>, vector<68x256xf32>, vector<68x256xf32>, vector<68x256xf32>, vector<68x256xf32>, vector<68x256xf32>, vector<68x256xf32>, vector<68x256xf32>, vector<68x256xf32>, vector<68x256xf32>, vector<68x256xf32>, vector<68x256xf32>, vector<68x256xf32>, vector<68x256xf32>, vector<68x256xf32>, vector<68x256xf32>, vector<68x256xf32>, vector<68x256xf32>, vector<68x256xf32>, vector<68x256xf32>, vector<68x256xf32>, vector<68x256xf32>, vector<68x256xf32>, vector<68x256xf32>, vector<68x256xf32>, vector<68x256xf32>, vector<68x256xf32>, vector<68x256xf32>, vector<68x256xf32>, vector<68x256xf32>, vector<68x256xf32> -> vector<68x16384xf32>
    %dot_general3A_1019 = arith.constant dense<0.000000e+00> : vector<68x16384xf32>
    %dot_general3A_1020 = tpu.matmul %mul3A_24, %concatenate3A_1018, %dot_general3A_1019 {dimension_numbers = #tpu.dot_dimension_numbers<[1], [0], [0], [1], [0, 0, 1, 1], [], []>, transpose_lhs_hint = false} : vector<68x68xf32>, vector<68x16384xf32>, vector<68x16384xf32> -> vector<68x16384xf32>
    %add3A_1021 = vector.broadcast %tile3A_419 : vector<1x16384xf32> to vector<68x16384xf32>
    %add3A_1022 = arith.addf %dot_general3A_1020, %add3A_1021 : vector<68x16384xf32>
    %max3A_1023 = arith.constant 0.000000e+00 : f32
    %max3A_1024 = vector.broadcast %max3A_1023 : f32 to vector<68x16384xf32>
    %max3A_1025 = arith.maximumf %add3A_1022, %max3A_1024 : vector<68x16384xf32>
    %reduce_sum3A_1026 = arith.constant dense<0.000000e+00> : vector<16384xf32>
    %reduce_sum3A_1027 = vector.multi_reduction <add>, %max3A_1025, %reduce_sum3A_1026 [0] : vector<68x16384xf32> to vector<16384xf32>
    %div3A = arith.constant 6.800000e+01 : f32
    %div3A_1028 = vector.broadcast %div3A : f32 to vector<16384xf32>
    %div3A_1029 = arith.divf %reduce_sum3A_1027, %div3A_1028 : vector<16384xf32>
    %swap3A = arith.constant 0 : index
    %swap3A_1030 = arith.constant 0 : index
    %swap3A_1031 = arith.constant 0 : index
    %swap3A_1032 = vector.load %arg9[%swap3A, %swap3A_1030, %swap3A_1031] : memref<1x1x16384xf32, #tpu.memory_space<vmem>>, vector<1x1x16384xf32>
    %swap3A_1033 = vector.shape_cast %swap3A_1032 : vector<1x1x16384xf32> to vector<16384xf32>
    %swap3A_1034 = vector.shape_cast %div3A_1029 : vector<16384xf32> to vector<1x1x16384xf32>
    tpu.vector_store %arg9[%swap3A, %swap3A_1030, %swap3A_1031], %swap3A_1034 {strides = array<i32>} : memref<1x1x16384xf32, #tpu.memory_space<vmem>>, vector<1x1x16384xf32>,
    return
  }
  func.func @transform_0(%arg0: i32) -> (i32, i32, i32) {
    %c0_i32 = arith.constant 0 : i32
    %c0_i32_0 = arith.constant 0 : i32
    %c0_i32_1 = arith.constant 0 : i32
    %c0_i32_2 = arith.constant 0 : i32
    return %c0_i32, %c0_i32_0, %c0_i32_1 : i32, i32, i32
  }
  func.func @transform_1(%arg0: i32) -> (i32, i32) {
    %c0_i32 = arith.constant 0 : i32
    %c0_i32_0 = arith.constant 0 : i32
    %c0_i32_1 = arith.constant 0 : i32
    return %c0_i32, %c0_i32_0 : i32, i32
  }
  func.func @transform_2(%arg0: i32) -> (i32, i32) {
    %c0_i32 = arith.constant 0 : i32
    %c0_i32_0 = arith.constant 0 : i32
    %c0_i32_1 = arith.constant 0 : i32
    return %c0_i32, %c0_i32_0 : i32, i32
  }
  func.func @transform_3(%arg0: i32) -> (i32, i32) {
    %c0_i32 = arith.constant 0 : i32
    %c0_i32_0 = arith.constant 0 : i32
    %c0_i32_1 = arith.constant 0 : i32
    return %c0_i32, %c0_i32_0 : i32, i32
  }
  func.func @transform_4(%arg0: i32) -> (i32, i32) {
    %c0_i32 = arith.constant 0 : i32
    %c0_i32_0 = arith.constant 0 : i32
    %c0_i32_1 = arith.constant 0 : i32
    return %c0_i32, %c0_i32_0 : i32, i32
  }
  func.func @transform_5(%arg0: i32) -> (i32, i32) {
    %c0_i32 = arith.constant 0 : i32
    %c0_i32_0 = arith.constant 0 : i32
    %c0_i32_1 = arith.constant 0 : i32
    return %c0_i32, %c0_i32_0 : i32, i32
  }
  func.func @transform_6(%arg0: i32) -> (i32, i32) {
    %c0_i32 = arith.constant 0 : i32
    %c0_i32_0 = arith.constant 0 : i32
    %c0_i32_1 = arith.constant 0 : i32
    return %c0_i32, %c0_i32_0 : i32, i32
  }
  func.func @transform_7(%arg0: i32) -> (i32, i32, i32, i32) {
    %c0_i32 = arith.constant 0 : i32
    %c0_i32_0 = arith.constant 0 : i32
    %c0_i32_1 = arith.constant 0 : i32
    %c0_i32_2 = arith.constant 0 : i32
    return %c0_i32, %arg0, %c0_i32_0, %c0_i32_1 : i32, i32, i32, i32
  }
  func.func @transform_8(%arg0: i32) -> (i32, i32, i32) {
    %c0_i32 = arith.constant 0 : i32
    %c0_i32_0 = arith.constant 0 : i32
    %c0_i32_1 = arith.constant 0 : i32
    return %arg0, %c0_i32, %c0_i32_0 : i32, i32, i32
  }
}

module attributes {stable_mosaic.version = 14 : i64} {
  func.func @_lstm_body(%arg0: memref<512x256xf32, #tpu.memory_space<vmem>>, %arg1: memref<1024x256xf32, #tpu.memory_space<vmem>>, %arg2: memref<1024x256xf32, #tpu.memory_space<vmem>>, %arg3: memref<1024x256xf32, #tpu.memory_space<vmem>>, %arg4: memref<1024x256xf32, #tpu.memory_space<vmem>>, %arg5: memref<1024x512xf32, #tpu.memory_space<vmem>>, %arg6: memref<1024x256xf32, #tpu.memory_space<vmem>>, %arg7: memref<1024x512xf32, #tpu.memory_space<vmem>>, %arg8: memref<1024x256xf32, #tpu.memory_space<vmem>>, %arg9: memref<1x2048xf32, #tpu.memory_space<vmem>>, %arg10: memref<1x2048xf32, #tpu.memory_space<vmem>>, %arg11: memref<512x256xf32, #tpu.memory_space<vmem>>, %arg12: memref<1x256xf32, #tpu.memory_space<vmem>>, %arg13: memref<256x500xf32, #tpu.memory_space<vmem>>, %arg14: memref<1x500xf32, #tpu.memory_space<vmem>>, %arg15: memref<16x500xf32, #tpu.memory_space<vmem>>, %arg16: memref<512x2048xf32, #tpu.memory_space<vmem>>, %arg17: memref<512x512xf32, #tpu.memory_space<vmem>>, %arg18: memref<512x2048xf32, #tpu.memory_space<vmem>>) attributes {dimension_semantics = [], scalar_prefetch = 0 : i64, scratch_operands = 3 : i64, tpu.core_type = #tpu.core_type<tc>} {
    %get3A = arith.constant 0 : index
    %get3A_0 = arith.constant 0 : index
    %get3A_1 = vector.load %arg0[%get3A, %get3A_0] : memref<512x256xf32, #tpu.memory_space<vmem>>, vector<512x256xf32>
    %get3A_2 = arith.constant 0 : index
    %get3A_3 = arith.constant 0 : index
    %get3A_4 = vector.load %arg1[%get3A_2, %get3A_3] : memref<1024x256xf32, #tpu.memory_space<vmem>>, vector<1024x256xf32>
    %dot_general3A = arith.constant dense<0.000000e+00> : vector<512x1024xf32>
    %dot_general3A_5 = tpu.matmul %get3A_1, %get3A_4, %dot_general3A {dimension_numbers = #tpu.dot_dimension_numbers<[1], [1], [0], [0], [0, 0, 1, 0], [], []>, transpose_lhs_hint = false} : vector<512x256xf32>, vector<1024x256xf32>, vector<512x1024xf32> -> vector<512x1024xf32>
    %get3A_6 = arith.constant 0 : index
    %get3A_7 = arith.constant 0 : index
    %get3A_8 = vector.load %arg9[%get3A_6, %get3A_7] : memref<1x2048xf32, #tpu.memory_space<vmem>>, vector<1x1024xf32>
    %add3A = vector.broadcast %get3A_8 : vector<1x1024xf32> to vector<512x1024xf32>
    %add3A_9 = arith.addf %dot_general3A_5, %add3A : vector<512x1024xf32>
    %swap3A = arith.constant 0 : index
    %swap3A_10 = arith.constant 0 : index
    %swap3A_11 = vector.load %arg16[%swap3A, %swap3A_10] : memref<512x2048xf32, #tpu.memory_space<vmem>>, vector<512x1024xf32>
    tpu.vector_store %arg16[%swap3A, %swap3A_10], %add3A_9 {strides = array<i32>} : memref<512x2048xf32, #tpu.memory_space<vmem>>, vector<512x1024xf32>,
    %get3A_12 = arith.constant 0 : index
    %get3A_13 = arith.constant 0 : index
    %get3A_14 = vector.load %arg3[%get3A_12, %get3A_13] : memref<1024x256xf32, #tpu.memory_space<vmem>>, vector<1024x256xf32>
    %dot_general3A_15 = arith.constant dense<0.000000e+00> : vector<512x1024xf32>
    %dot_general3A_16 = tpu.matmul %get3A_1, %get3A_14, %dot_general3A_15 {dimension_numbers = #tpu.dot_dimension_numbers<[1], [1], [0], [0], [0, 0, 1, 0], [], []>, transpose_lhs_hint = false} : vector<512x256xf32>, vector<1024x256xf32>, vector<512x1024xf32> -> vector<512x1024xf32>
    %get3A_17 = arith.constant 0 : index
    %get3A_18 = arith.constant 1024 : index
    %get3A_19 = vector.load %arg9[%get3A_17, %get3A_18] : memref<1x2048xf32, #tpu.memory_space<vmem>>, vector<1x1024xf32>
    %add3A_20 = vector.broadcast %get3A_19 : vector<1x1024xf32> to vector<512x1024xf32>
    %add3A_21 = arith.addf %dot_general3A_16, %add3A_20 : vector<512x1024xf32>
    %swap3A_22 = arith.constant 0 : index
    %swap3A_23 = arith.constant 1024 : index
    %swap3A_24 = vector.load %arg16[%swap3A_22, %swap3A_23] : memref<512x2048xf32, #tpu.memory_space<vmem>>, vector<512x1024xf32>
    tpu.vector_store %arg16[%swap3A_22, %swap3A_23], %add3A_21 {strides = array<i32>} : memref<512x2048xf32, #tpu.memory_space<vmem>>, vector<512x1024xf32>,
    %broadcast_in_dim3A = arith.constant 0.000000e+00 : f32
    %broadcast_in_dim3A_25 = vector.broadcast %broadcast_in_dim3A : f32 to vector<16x256xf32>
    %scan3A = arith.constant 0 : i32
    %scan3A_26 = arith.constant 32 : i32
    %scan3A_27 = arith.addi %scan3A, %scan3A_26 : i32
    %scan3A_28 = arith.constant 1 : i32
    %scan3A_29:4 = scf.for %scan3A_91 = %scan3A to %scan3A_27 step %scan3A_28 iter_args(%scan3A_92 = %broadcast_in_dim3A_25, %scan3A_93 = %broadcast_in_dim3A_25, %scan3A_94 = %broadcast_in_dim3A_25, %scan3A_95 = %broadcast_in_dim3A_25) -> (vector<16x256xf32>, vector<16x256xf32>, vector<16x256xf32>, vector<16x256xf32>)  : i32 {
      %mul3A = arith.constant 16 : i32
      %mul3A_96 = arith.muli %scan3A_91, %mul3A : i32
      %get3A_97 = arith.index_cast %mul3A_96 : i32 to index
      %get3A_98 = arith.constant 0 : index
      %get3A_99 = vector.load %arg16[%get3A_97, %get3A_98] : memref<512x2048xf32, #tpu.memory_space<vmem>>, vector<16x1024xf32>
      %get3A_100 = arith.constant 0 : index
      %get3A_101 = arith.constant 0 : index
      %get3A_102 = vector.load %arg2[%get3A_100, %get3A_101] : memref<1024x256xf32, #tpu.memory_space<vmem>>, vector<1024x256xf32>
      %dot_general3A_103 = arith.constant dense<0.000000e+00> : vector<16x1024xf32>
      %dot_general3A_104 = tpu.matmul %scan3A_92, %get3A_102, %dot_general3A_103 {dimension_numbers = #tpu.dot_dimension_numbers<[1], [1], [0], [0], [0, 0, 1, 0], [], []>, transpose_lhs_hint = false} : vector<16x256xf32>, vector<1024x256xf32>, vector<16x1024xf32> -> vector<16x1024xf32>
      %add3A_105 = arith.addf %get3A_99, %dot_general3A_104 : vector<16x1024xf32>
      %sub3A = arith.constant 31 : i32
      %sub3A_106 = arith.subi %sub3A, %scan3A_91 : i32
      %mul3A_107 = arith.constant 16 : i32
      %mul3A_108 = arith.muli %sub3A_106, %mul3A_107 : i32
      %get3A_109 = arith.index_cast %mul3A_108 : i32 to index
      %get3A_110 = arith.constant 1024 : index
      %get3A_111 = vector.load %arg16[%get3A_109, %get3A_110] : memref<512x2048xf32, #tpu.memory_space<vmem>>, vector<16x1024xf32>
      %get3A_112 = arith.constant 0 : index
      %get3A_113 = arith.constant 0 : index
      %get3A_114 = vector.load %arg4[%get3A_112, %get3A_113] : memref<1024x256xf32, #tpu.memory_space<vmem>>, vector<1024x256xf32>
      %dot_general3A_115 = arith.constant dense<0.000000e+00> : vector<16x1024xf32>
      %dot_general3A_116 = tpu.matmul %scan3A_94, %get3A_114, %dot_general3A_115 {dimension_numbers = #tpu.dot_dimension_numbers<[1], [1], [0], [0], [0, 0, 1, 0], [], []>, transpose_lhs_hint = false} : vector<16x256xf32>, vector<1024x256xf32>, vector<16x1024xf32> -> vector<16x1024xf32>
      %add3A_117 = arith.addf %get3A_111, %dot_general3A_116 : vector<16x1024xf32>
      %slice3A = vector.extract_strided_slice %add3A_105 {offsets = [0, 0], sizes = [16, 256], strides = [1, 1]} : vector<16x1024xf32> to vector<16x256xf32>
      %logistic3A = arith.negf %slice3A : vector<16x256xf32>
      %logistic3A_118 = math.exp %logistic3A : vector<16x256xf32>
      %logistic3A_119 = arith.constant 1.000000e+00 : f32
      %logistic3A_120 = vector.broadcast %logistic3A_119 : f32 to vector<16x256xf32>
      %logistic3A_121 = arith.addf %logistic3A_120, %logistic3A_118 : vector<16x256xf32>
      %logistic3A_122 = arith.divf %logistic3A_120, %logistic3A_121 : vector<16x256xf32>
      %slice3A_123 = vector.extract_strided_slice %add3A_105 {offsets = [0, 256], sizes = [16, 256], strides = [1, 1]} : vector<16x1024xf32> to vector<16x256xf32>
      %logistic3A_124 = arith.negf %slice3A_123 : vector<16x256xf32>
      %logistic3A_125 = math.exp %logistic3A_124 : vector<16x256xf32>
      %logistic3A_126 = arith.constant 1.000000e+00 : f32
      %logistic3A_127 = vector.broadcast %logistic3A_126 : f32 to vector<16x256xf32>
      %logistic3A_128 = arith.addf %logistic3A_127, %logistic3A_125 : vector<16x256xf32>
      %logistic3A_129 = arith.divf %logistic3A_127, %logistic3A_128 : vector<16x256xf32>
      %slice3A_130 = vector.extract_strided_slice %add3A_105 {offsets = [0, 512], sizes = [16, 256], strides = [1, 1]} : vector<16x1024xf32> to vector<16x256xf32>
      %tanh3A = math.tanh %slice3A_130 : vector<16x256xf32>
      %slice3A_131 = vector.extract_strided_slice %add3A_105 {offsets = [0, 768], sizes = [16, 256], strides = [1, 1]} : vector<16x1024xf32> to vector<16x256xf32>
      %logistic3A_132 = arith.negf %slice3A_131 : vector<16x256xf32>
      %logistic3A_133 = math.exp %logistic3A_132 : vector<16x256xf32>
      %logistic3A_134 = arith.constant 1.000000e+00 : f32
      %logistic3A_135 = vector.broadcast %logistic3A_134 : f32 to vector<16x256xf32>
      %logistic3A_136 = arith.addf %logistic3A_135, %logistic3A_133 : vector<16x256xf32>
      %logistic3A_137 = arith.divf %logistic3A_135, %logistic3A_136 : vector<16x256xf32>
      %mul3A_138 = arith.mulf %logistic3A_129, %scan3A_93 : vector<16x256xf32>
      %mul3A_139 = arith.mulf %logistic3A_122, %tanh3A : vector<16x256xf32>
      %add3A_140 = arith.addf %mul3A_138, %mul3A_139 : vector<16x256xf32>
      %tanh3A_141 = math.tanh %add3A_140 : vector<16x256xf32>
      %mul3A_142 = arith.mulf %logistic3A_137, %tanh3A_141 : vector<16x256xf32>
      %slice3A_143 = vector.extract_strided_slice %add3A_117 {offsets = [0, 0], sizes = [16, 256], strides = [1, 1]} : vector<16x1024xf32> to vector<16x256xf32>
      %logistic3A_144 = arith.negf %slice3A_143 : vector<16x256xf32>
      %logistic3A_145 = math.exp %logistic3A_144 : vector<16x256xf32>
      %logistic3A_146 = arith.constant 1.000000e+00 : f32
      %logistic3A_147 = vector.broadcast %logistic3A_146 : f32 to vector<16x256xf32>
      %logistic3A_148 = arith.addf %logistic3A_147, %logistic3A_145 : vector<16x256xf32>
      %logistic3A_149 = arith.divf %logistic3A_147, %logistic3A_148 : vector<16x256xf32>
      %slice3A_150 = vector.extract_strided_slice %add3A_117 {offsets = [0, 256], sizes = [16, 256], strides = [1, 1]} : vector<16x1024xf32> to vector<16x256xf32>
      %logistic3A_151 = arith.negf %slice3A_150 : vector<16x256xf32>
      %logistic3A_152 = math.exp %logistic3A_151 : vector<16x256xf32>
      %logistic3A_153 = arith.constant 1.000000e+00 : f32
      %logistic3A_154 = vector.broadcast %logistic3A_153 : f32 to vector<16x256xf32>
      %logistic3A_155 = arith.addf %logistic3A_154, %logistic3A_152 : vector<16x256xf32>
      %logistic3A_156 = arith.divf %logistic3A_154, %logistic3A_155 : vector<16x256xf32>
      %slice3A_157 = vector.extract_strided_slice %add3A_117 {offsets = [0, 512], sizes = [16, 256], strides = [1, 1]} : vector<16x1024xf32> to vector<16x256xf32>
      %tanh3A_158 = math.tanh %slice3A_157 : vector<16x256xf32>
      %slice3A_159 = vector.extract_strided_slice %add3A_117 {offsets = [0, 768], sizes = [16, 256], strides = [1, 1]} : vector<16x1024xf32> to vector<16x256xf32>
      %logistic3A_160 = arith.negf %slice3A_159 : vector<16x256xf32>
      %logistic3A_161 = math.exp %logistic3A_160 : vector<16x256xf32>
      %logistic3A_162 = arith.constant 1.000000e+00 : f32
      %logistic3A_163 = vector.broadcast %logistic3A_162 : f32 to vector<16x256xf32>
      %logistic3A_164 = arith.addf %logistic3A_163, %logistic3A_161 : vector<16x256xf32>
      %logistic3A_165 = arith.divf %logistic3A_163, %logistic3A_164 : vector<16x256xf32>
      %mul3A_166 = arith.mulf %logistic3A_156, %scan3A_95 : vector<16x256xf32>
      %mul3A_167 = arith.mulf %logistic3A_149, %tanh3A_158 : vector<16x256xf32>
      %add3A_168 = arith.addf %mul3A_166, %mul3A_167 : vector<16x256xf32>
      %tanh3A_169 = math.tanh %add3A_168 : vector<16x256xf32>
      %mul3A_170 = arith.mulf %logistic3A_165, %tanh3A_169 : vector<16x256xf32>
      %mul3A_171 = arith.constant 16 : i32
      %mul3A_172 = arith.muli %scan3A_91, %mul3A_171 : i32
      %swap3A_173 = arith.index_cast %mul3A_172 : i32 to index
      %swap3A_174 = arith.constant 0 : index
      %swap3A_175 = vector.load %arg17[%swap3A_173, %swap3A_174] : memref<512x512xf32, #tpu.memory_space<vmem>>, vector<16x256xf32>
      tpu.vector_store %arg17[%swap3A_173, %swap3A_174], %mul3A_142 {strides = array<i32>} : memref<512x512xf32, #tpu.memory_space<vmem>>, vector<16x256xf32>,
      %sub3A_176 = arith.constant 31 : i32
      %sub3A_177 = arith.subi %sub3A_176, %scan3A_91 : i32
      %mul3A_178 = arith.constant 16 : i32
      %mul3A_179 = arith.muli %sub3A_177, %mul3A_178 : i32
      %swap3A_180 = arith.index_cast %mul3A_179 : i32 to index
      %swap3A_181 = arith.constant 256 : index
      %swap3A_182 = vector.load %arg17[%swap3A_180, %swap3A_181] : memref<512x512xf32, #tpu.memory_space<vmem>>, vector<16x256xf32>
      tpu.vector_store %arg17[%swap3A_180, %swap3A_181], %mul3A_170 {strides = array<i32>} : memref<512x512xf32, #tpu.memory_space<vmem>>, vector<16x256xf32>,
      scf.yield %mul3A_142, %add3A_140, %mul3A_170, %add3A_168 : vector<16x256xf32>, vector<16x256xf32>, vector<16x256xf32>, vector<16x256xf32>
    }
    %scan3A_30 = arith.constant 32 : i32
    %get3A_31 = arith.constant 0 : index
    %get3A_32 = arith.constant 0 : index
    %get3A_33 = vector.load %arg17[%get3A_31, %get3A_32] : memref<512x512xf32, #tpu.memory_space<vmem>>, vector<512x512xf32>
    %get3A_34 = arith.constant 0 : index
    %get3A_35 = arith.constant 0 : index
    %get3A_36 = vector.load %arg5[%get3A_34, %get3A_35] : memref<1024x512xf32, #tpu.memory_space<vmem>>, vector<1024x512xf32>
    %dot_general3A_37 = arith.constant dense<0.000000e+00> : vector<512x1024xf32>
    %dot_general3A_38 = tpu.matmul %get3A_33, %get3A_36, %dot_general3A_37 {dimension_numbers = #tpu.dot_dimension_numbers<[1], [1], [0], [0], [0, 0, 1, 0], [], []>, transpose_lhs_hint = false} : vector<512x512xf32>, vector<1024x512xf32>, vector<512x1024xf32> -> vector<512x1024xf32>
    %get3A_39 = arith.constant 0 : index
    %get3A_40 = arith.constant 0 : index
    %get3A_41 = vector.load %arg10[%get3A_39, %get3A_40] : memref<1x2048xf32, #tpu.memory_space<vmem>>, vector<1x1024xf32>
    %add3A_42 = vector.broadcast %get3A_41 : vector<1x1024xf32> to vector<512x1024xf32>
    %add3A_43 = arith.addf %dot_general3A_38, %add3A_42 : vector<512x1024xf32>
    %swap3A_44 = arith.constant 0 : index
    %swap3A_45 = arith.constant 0 : index
    %swap3A_46 = vector.load %arg18[%swap3A_44, %swap3A_45] : memref<512x2048xf32, #tpu.memory_space<vmem>>, vector<512x1024xf32>
    tpu.vector_store %arg18[%swap3A_44, %swap3A_45], %add3A_43 {strides = array<i32>} : memref<512x2048xf32, #tpu.memory_space<vmem>>, vector<512x1024xf32>,
    %get3A_47 = arith.constant 0 : index
    %get3A_48 = arith.constant 0 : index
    %get3A_49 = vector.load %arg7[%get3A_47, %get3A_48] : memref<1024x512xf32, #tpu.memory_space<vmem>>, vector<1024x512xf32>
    %dot_general3A_50 = arith.constant dense<0.000000e+00> : vector<512x1024xf32>
    %dot_general3A_51 = tpu.matmul %get3A_33, %get3A_49, %dot_general3A_50 {dimension_numbers = #tpu.dot_dimension_numbers<[1], [1], [0], [0], [0, 0, 1, 0], [], []>, transpose_lhs_hint = false} : vector<512x512xf32>, vector<1024x512xf32>, vector<512x1024xf32> -> vector<512x1024xf32>
    %get3A_52 = arith.constant 0 : index
    %get3A_53 = arith.constant 1024 : index
    %get3A_54 = vector.load %arg10[%get3A_52, %get3A_53] : memref<1x2048xf32, #tpu.memory_space<vmem>>, vector<1x1024xf32>
    %add3A_55 = vector.broadcast %get3A_54 : vector<1x1024xf32> to vector<512x1024xf32>
    %add3A_56 = arith.addf %dot_general3A_51, %add3A_55 : vector<512x1024xf32>
    %swap3A_57 = arith.constant 0 : index
    %swap3A_58 = arith.constant 1024 : index
    %swap3A_59 = vector.load %arg18[%swap3A_57, %swap3A_58] : memref<512x2048xf32, #tpu.memory_space<vmem>>, vector<512x1024xf32>
    tpu.vector_store %arg18[%swap3A_57, %swap3A_58], %add3A_56 {strides = array<i32>} : memref<512x2048xf32, #tpu.memory_space<vmem>>, vector<512x1024xf32>,
    %scan3A_60 = arith.constant 0 : i32
    %scan3A_61 = arith.constant 32 : i32
    %scan3A_62 = arith.addi %scan3A_60, %scan3A_61 : i32
    %scan3A_63 = arith.constant 1 : i32
    %scan3A_64:4 = scf.for %scan3A_91 = %scan3A_60 to %scan3A_62 step %scan3A_63 iter_args(%scan3A_92 = %broadcast_in_dim3A_25, %scan3A_93 = %broadcast_in_dim3A_25, %scan3A_94 = %broadcast_in_dim3A_25, %scan3A_95 = %broadcast_in_dim3A_25) -> (vector<16x256xf32>, vector<16x256xf32>, vector<16x256xf32>, vector<16x256xf32>)  : i32 {
      %mul3A = arith.constant 16 : i32
      %mul3A_96 = arith.muli %scan3A_91, %mul3A : i32
      %get3A_97 = arith.index_cast %mul3A_96 : i32 to index
      %get3A_98 = arith.constant 0 : index
      %get3A_99 = vector.load %arg18[%get3A_97, %get3A_98] : memref<512x2048xf32, #tpu.memory_space<vmem>>, vector<16x1024xf32>
      %get3A_100 = arith.constant 0 : index
      %get3A_101 = arith.constant 0 : index
      %get3A_102 = vector.load %arg6[%get3A_100, %get3A_101] : memref<1024x256xf32, #tpu.memory_space<vmem>>, vector<1024x256xf32>
      %dot_general3A_103 = arith.constant dense<0.000000e+00> : vector<16x1024xf32>
      %dot_general3A_104 = tpu.matmul %scan3A_92, %get3A_102, %dot_general3A_103 {dimension_numbers = #tpu.dot_dimension_numbers<[1], [1], [0], [0], [0, 0, 1, 0], [], []>, transpose_lhs_hint = false} : vector<16x256xf32>, vector<1024x256xf32>, vector<16x1024xf32> -> vector<16x1024xf32>
      %add3A_105 = arith.addf %get3A_99, %dot_general3A_104 : vector<16x1024xf32>
      %sub3A = arith.constant 31 : i32
      %sub3A_106 = arith.subi %sub3A, %scan3A_91 : i32
      %mul3A_107 = arith.constant 16 : i32
      %mul3A_108 = arith.muli %sub3A_106, %mul3A_107 : i32
      %get3A_109 = arith.index_cast %mul3A_108 : i32 to index
      %get3A_110 = arith.constant 1024 : index
      %get3A_111 = vector.load %arg18[%get3A_109, %get3A_110] : memref<512x2048xf32, #tpu.memory_space<vmem>>, vector<16x1024xf32>
      %get3A_112 = arith.constant 0 : index
      %get3A_113 = arith.constant 0 : index
      %get3A_114 = vector.load %arg8[%get3A_112, %get3A_113] : memref<1024x256xf32, #tpu.memory_space<vmem>>, vector<1024x256xf32>
      %dot_general3A_115 = arith.constant dense<0.000000e+00> : vector<16x1024xf32>
      %dot_general3A_116 = tpu.matmul %scan3A_94, %get3A_114, %dot_general3A_115 {dimension_numbers = #tpu.dot_dimension_numbers<[1], [1], [0], [0], [0, 0, 1, 0], [], []>, transpose_lhs_hint = false} : vector<16x256xf32>, vector<1024x256xf32>, vector<16x1024xf32> -> vector<16x1024xf32>
      %add3A_117 = arith.addf %get3A_111, %dot_general3A_116 : vector<16x1024xf32>
      %slice3A = vector.extract_strided_slice %add3A_105 {offsets = [0, 0], sizes = [16, 256], strides = [1, 1]} : vector<16x1024xf32> to vector<16x256xf32>
      %logistic3A = arith.negf %slice3A : vector<16x256xf32>
      %logistic3A_118 = math.exp %logistic3A : vector<16x256xf32>
      %logistic3A_119 = arith.constant 1.000000e+00 : f32
      %logistic3A_120 = vector.broadcast %logistic3A_119 : f32 to vector<16x256xf32>
      %logistic3A_121 = arith.addf %logistic3A_120, %logistic3A_118 : vector<16x256xf32>
      %logistic3A_122 = arith.divf %logistic3A_120, %logistic3A_121 : vector<16x256xf32>
      %slice3A_123 = vector.extract_strided_slice %add3A_105 {offsets = [0, 256], sizes = [16, 256], strides = [1, 1]} : vector<16x1024xf32> to vector<16x256xf32>
      %logistic3A_124 = arith.negf %slice3A_123 : vector<16x256xf32>
      %logistic3A_125 = math.exp %logistic3A_124 : vector<16x256xf32>
      %logistic3A_126 = arith.constant 1.000000e+00 : f32
      %logistic3A_127 = vector.broadcast %logistic3A_126 : f32 to vector<16x256xf32>
      %logistic3A_128 = arith.addf %logistic3A_127, %logistic3A_125 : vector<16x256xf32>
      %logistic3A_129 = arith.divf %logistic3A_127, %logistic3A_128 : vector<16x256xf32>
      %slice3A_130 = vector.extract_strided_slice %add3A_105 {offsets = [0, 512], sizes = [16, 256], strides = [1, 1]} : vector<16x1024xf32> to vector<16x256xf32>
      %tanh3A = math.tanh %slice3A_130 : vector<16x256xf32>
      %slice3A_131 = vector.extract_strided_slice %add3A_105 {offsets = [0, 768], sizes = [16, 256], strides = [1, 1]} : vector<16x1024xf32> to vector<16x256xf32>
      %logistic3A_132 = arith.negf %slice3A_131 : vector<16x256xf32>
      %logistic3A_133 = math.exp %logistic3A_132 : vector<16x256xf32>
      %logistic3A_134 = arith.constant 1.000000e+00 : f32
      %logistic3A_135 = vector.broadcast %logistic3A_134 : f32 to vector<16x256xf32>
      %logistic3A_136 = arith.addf %logistic3A_135, %logistic3A_133 : vector<16x256xf32>
      %logistic3A_137 = arith.divf %logistic3A_135, %logistic3A_136 : vector<16x256xf32>
      %mul3A_138 = arith.mulf %logistic3A_129, %scan3A_93 : vector<16x256xf32>
      %mul3A_139 = arith.mulf %logistic3A_122, %tanh3A : vector<16x256xf32>
      %add3A_140 = arith.addf %mul3A_138, %mul3A_139 : vector<16x256xf32>
      %tanh3A_141 = math.tanh %add3A_140 : vector<16x256xf32>
      %mul3A_142 = arith.mulf %logistic3A_137, %tanh3A_141 : vector<16x256xf32>
      %slice3A_143 = vector.extract_strided_slice %add3A_117 {offsets = [0, 0], sizes = [16, 256], strides = [1, 1]} : vector<16x1024xf32> to vector<16x256xf32>
      %logistic3A_144 = arith.negf %slice3A_143 : vector<16x256xf32>
      %logistic3A_145 = math.exp %logistic3A_144 : vector<16x256xf32>
      %logistic3A_146 = arith.constant 1.000000e+00 : f32
      %logistic3A_147 = vector.broadcast %logistic3A_146 : f32 to vector<16x256xf32>
      %logistic3A_148 = arith.addf %logistic3A_147, %logistic3A_145 : vector<16x256xf32>
      %logistic3A_149 = arith.divf %logistic3A_147, %logistic3A_148 : vector<16x256xf32>
      %slice3A_150 = vector.extract_strided_slice %add3A_117 {offsets = [0, 256], sizes = [16, 256], strides = [1, 1]} : vector<16x1024xf32> to vector<16x256xf32>
      %logistic3A_151 = arith.negf %slice3A_150 : vector<16x256xf32>
      %logistic3A_152 = math.exp %logistic3A_151 : vector<16x256xf32>
      %logistic3A_153 = arith.constant 1.000000e+00 : f32
      %logistic3A_154 = vector.broadcast %logistic3A_153 : f32 to vector<16x256xf32>
      %logistic3A_155 = arith.addf %logistic3A_154, %logistic3A_152 : vector<16x256xf32>
      %logistic3A_156 = arith.divf %logistic3A_154, %logistic3A_155 : vector<16x256xf32>
      %slice3A_157 = vector.extract_strided_slice %add3A_117 {offsets = [0, 512], sizes = [16, 256], strides = [1, 1]} : vector<16x1024xf32> to vector<16x256xf32>
      %tanh3A_158 = math.tanh %slice3A_157 : vector<16x256xf32>
      %slice3A_159 = vector.extract_strided_slice %add3A_117 {offsets = [0, 768], sizes = [16, 256], strides = [1, 1]} : vector<16x1024xf32> to vector<16x256xf32>
      %logistic3A_160 = arith.negf %slice3A_159 : vector<16x256xf32>
      %logistic3A_161 = math.exp %logistic3A_160 : vector<16x256xf32>
      %logistic3A_162 = arith.constant 1.000000e+00 : f32
      %logistic3A_163 = vector.broadcast %logistic3A_162 : f32 to vector<16x256xf32>
      %logistic3A_164 = arith.addf %logistic3A_163, %logistic3A_161 : vector<16x256xf32>
      %logistic3A_165 = arith.divf %logistic3A_163, %logistic3A_164 : vector<16x256xf32>
      %mul3A_166 = arith.mulf %logistic3A_156, %scan3A_95 : vector<16x256xf32>
      %mul3A_167 = arith.mulf %logistic3A_149, %tanh3A_158 : vector<16x256xf32>
      %add3A_168 = arith.addf %mul3A_166, %mul3A_167 : vector<16x256xf32>
      %tanh3A_169 = math.tanh %add3A_168 : vector<16x256xf32>
      %mul3A_170 = arith.mulf %logistic3A_165, %tanh3A_169 : vector<16x256xf32>
      scf.yield %mul3A_142, %add3A_140, %mul3A_170, %add3A_168 : vector<16x256xf32>, vector<16x256xf32>, vector<16x256xf32>, vector<16x256xf32>
    }
    %scan3A_65 = arith.constant 32 : i32
    %concatenate3A = tpu.concatenate %scan3A_64#0, %scan3A_64#2 in 1 : vector<16x256xf32>, vector<16x256xf32> -> vector<16x512xf32>
    %get3A_66 = arith.constant 0 : index
    %get3A_67 = arith.constant 0 : index
    %get3A_68 = vector.load %arg11[%get3A_66, %get3A_67] : memref<512x256xf32, #tpu.memory_space<vmem>>, vector<512x256xf32>
    %dot_general3A_69 = arith.constant dense<0.000000e+00> : vector<16x256xf32>
    %dot_general3A_70 = tpu.matmul %concatenate3A, %get3A_68, %dot_general3A_69 {dimension_numbers = #tpu.dot_dimension_numbers<[1], [0], [0], [1], [0, 0, 1, 1], [], []>, transpose_lhs_hint = false} : vector<16x512xf32>, vector<512x256xf32>, vector<16x256xf32> -> vector<16x256xf32>
    %get3A_71 = arith.constant 0 : index
    %get3A_72 = arith.constant 0 : index
    %get3A_73 = vector.load %arg12[%get3A_71, %get3A_72] : memref<1x256xf32, #tpu.memory_space<vmem>>, vector<1x256xf32>
    %add3A_74 = vector.broadcast %get3A_73 : vector<1x256xf32> to vector<16x256xf32>
    %add3A_75 = arith.addf %dot_general3A_70, %add3A_74 : vector<16x256xf32>
    %max3A = arith.constant 0.000000e+00 : f32
    %max3A_76 = vector.broadcast %max3A : f32 to vector<16x256xf32>
    %max3A_77 = arith.maximumf %add3A_75, %max3A_76 : vector<16x256xf32>
    %get3A_78 = arith.constant 0 : index
    %get3A_79 = arith.constant 0 : index
    %get3A_80 = vector.load %arg13[%get3A_78, %get3A_79] : memref<256x500xf32, #tpu.memory_space<vmem>>, vector<256x500xf32>
    %dot_general3A_81 = arith.constant dense<0.000000e+00> : vector<16x500xf32>
    %dot_general3A_82 = tpu.matmul %max3A_77, %get3A_80, %dot_general3A_81 {dimension_numbers = #tpu.dot_dimension_numbers<[1], [0], [0], [1], [0, 0, 1, 1], [], []>, transpose_lhs_hint = false} : vector<16x256xf32>, vector<256x500xf32>, vector<16x500xf32> -> vector<16x500xf32>
    %get3A_83 = arith.constant 0 : index
    %get3A_84 = arith.constant 0 : index
    %get3A_85 = vector.load %arg14[%get3A_83, %get3A_84] : memref<1x500xf32, #tpu.memory_space<vmem>>, vector<1x500xf32>
    %add3A_86 = vector.broadcast %get3A_85 : vector<1x500xf32> to vector<16x500xf32>
    %add3A_87 = arith.addf %dot_general3A_82, %add3A_86 : vector<16x500xf32>
    %swap3A_88 = arith.constant 0 : index
    %swap3A_89 = arith.constant 0 : index
    %swap3A_90 = vector.load %arg15[%swap3A_88, %swap3A_89] : memref<16x500xf32, #tpu.memory_space<vmem>>, vector<16x500xf32>
    tpu.vector_store %arg15[%swap3A_88, %swap3A_89], %add3A_87 {strides = array<i32>} : memref<16x500xf32, #tpu.memory_space<vmem>>, vector<16x500xf32>,
    return
  }
}

</mosaic_0001>

<sc_bundles>
// kernel: kernel.5.cloned.1.call-start
scs
__scs_entry_jumppad:
0x0: {  	(pc) =	sbr.rel $0x88, $3  }
0x1: {  	(tag) =	ssettag $0x0;
	lr =	simm.s32 $0x1  }
0x2: {  	[smem:$0x3F81] =	sst lr;
	_ =	strace $0xD0000000  }
0x3: {  	_ = 	snop  }
0x4: {  	_ = 	snop  }
0x5: {  	_ = 	snop  }
0x6: {  	_ = 	snop  }
0x7: {  	_ = 	snop  }
__scs_overlays_trampoline_lowered:
0x8: {  	[smem:$0x3F90] =	sst s0  }
0x9: {  	[smem:$0x3F91] =	sst s1  }
0xa: {  	[smem:$0x3F92] =	sst s2  }
0xb: {  	[smem:$0x3F93] =	sst s3  }
0xc: {  	[smem:$0x3F94] =	sst s4  }
0xd: {  	[smem:$0x3F95] =	sst s5  }
0xe: {  	[smem:$0x3F96] =	sst s6  }
0xf: {  	[smem:$0x3F97] =	sst s7  }
0x10: {  	[smem:$0x3F98] =	sst s8  }
0x11: {  	[smem:$0x3F99] =	sst s9;
	s0 =	simm.s32 @!p0 $0x0  }
0x12: {  	s1 =	sld [smem:$0x3F7F];
	s0 =	simm.s32 @p0 $0x1  }
0x13: {  	[smem:$0x3F9A] =	sst s0;
	s0 =	simm.s32 @!p1 $0x0  }
0x14: {  	s2 =	sld [smem:$0x3F7E];
	s0 =	simm.s32 @p1 $0x1  }
0x15: {  	[smem:$0x3F9B] =	sst s0;
	s0 =	simm.s32 @!p2 $0x0  }
0x16: {  	s3 =	sld [smem:$0x3FDB];
	s0 =	simm.s32 @p2 $0x1  }
0x17: {  	s4 =	simm.s32 $0x1BF5;
	[smem:$0x3F9D] =	sst s0  }
0x18: {  	s0 =	sld [smem:$0x3F80];
	_ =	swait.ge [sflag:s4], $0x0  }
0x19: {  	s7 =	sld [smem:$0x3F81]  }
0x1a: {  	s8 =	sadd.s32 $0xFFFFE003, lr  }
0x1b: {  	s9 =	sadd.s32 $0xFFFFFEF7, lr;
	s5 =	simm.s32 $0xFFFFFFFF;
	p2 =	slt.u32 s8, $0xFFFFF086  }
0x1c: {  	p1 =	slt.u32 s9, $0xF7A;
	s5 =	simm.s32 @!p2 $0x0  }
0x1d: {  	s5 =	simm.s32 @p1 $0x1;
	p0 =	seq.s32 s7, s2  }
0x1e: {  	s7 =	smul.u32 @!p0 $0xF7A, s2;
	p2 =	seq.s32 @!p0 s5, $0x0  }
0x1f: {  	s9 =	smul.u32 $0xF7A, s1;
	s8 =	simm.s32 @!p0 $0x1BF5;
	p2 =	por !p2, p0  }
0x20: {  	[sflag:s8] =	ssyncset.s32 @!p0 $0xFFFFF086;
	s6 =	sadd.s32 @!p0 s3, s7;
	s7 =	simm.s32 @!p0 $0x108  }
0x21: {  	s3 =	sadd.s32 s3, s9;
	s6 =	sadd.s32 @!p0 $0x88, s6;
	s7 =	simm.s32 @p2 $0x1082  }
0x22: {  	[simem:s7], [sflag:s8] =	dma.local @!p0 [hbm:s6], $0xF7A  }
0x23: {  	s9 =	sor.u32 $0xD0000000, s2;
	s6 =	simm.s32 $0x108;
	_ =	swait.ge @!p0 [sflag:s8], $0x0  }
0x24: {  	s3 =	sadd.s32 $0x88, s3;
	s6 =	simm.s32 @!p1 $0x1082;
	[sflag:s4] =	ssyncset.s32 $0xFFFFF086  }
0x25: {  	[simem:s6], [sflag:s4] =	dma.local [hbm:s3], $0xF7A  }
0x26: {  	[smem:$0x3F81] =	sst s1;
	(tag) =	ssettag s2;
	_ =	strace s9  }
0x27: {  	s1 =	sld [smem:$0x3F91]  }
0x28: {  	s2 =	sld [smem:$0x3F92]  }
0x29: {  	s4 =	sld [smem:$0x3F94]  }
0x2a: {  	p0 =	seq.s32 s5, $0x0;
	s5 =	sld [smem:$0x3F95]  }
0x2b: {  	s6 =	sld [smem:$0x3F96]  }
0x2c: {  	s7 =	sld [smem:$0x3F97]  }
0x2d: {  	s3 =	simm.s32 $0x108;
	s8 =	sld [smem:$0x3F98]  }
0x2e: {  	s3 =	simm.s32 @!p0 $0x1082;
	s9 =	sld [smem:$0x3F99]  }
0x2f: {  	lr =	sadd.s32 s0, s3;
	s0 =	sld [smem:$0x3F90]  }
0x30: {  	s3 =	sld [smem:$0x3F93]  }
0x31: {  	[smem:$0x3F9C] =	sst s10  }
0x32: {  	s10 =	sld [smem:$0x3F9A];
	_ =	sdelay $0x3  }
0x33: {  	p0 =	seq.s32 s10, $0x1;
	s10 =	sld [smem:$0x3F9C];
	_ =	sdelay $0x3  }
0x34: {  	[smem:$0x3F9C] =	sst s10  }
0x35: {  	s10 =	sld [smem:$0x3F9B];
	_ =	sdelay $0x3  }
0x36: {  	p1 =	seq.s32 s10, $0x1;
	s10 =	sld [smem:$0x3F9C];
	_ =	sdelay $0x3  }
0x37: {  	[smem:$0x3F9C] =	sst s10  }
0x38: {  	s10 =	sld [smem:$0x3F9D]  }
0x39: {  	_ = 	snop;
	(pc) =	sbr.ind lr, $3  }
0x3a: {  	_ = 	snop  }
0x3b: {  	_ = 	snop  }
0x3c: {  	p2 =	seq.s32 s10, $0x1;
	s10 =	sld [smem:$0x3F9C]  }
0x3d: {  	_ =	shalt  }
0x3e: {  	_ =	shalt  }
0x3f: {  	_ =	shalt  }
0x40: {  	_ =	shalt  }
0x41: {  	_ =	shalt  }
0x42: {  	_ =	shalt  }
0x43: {  	_ =	shalt  }
0x44: {  	_ =	shalt  }
0x45: {  	_ =	shalt  }
0x46: {  	_ =	shalt  }
0x47: {  	_ =	shalt  }
0x48: {  	_ =	shalt  }
0x49: {  	_ =	shalt  }
0x4a: {  	_ =	shalt  }
0x4b: {  	_ =	shalt  }
0x4c: {  	_ =	shalt  }
0x4d: {  	_ =	shalt  }
0x4e: {  	_ =	shalt  }
0x4f: {  	_ =	shalt  }
0x50: {  	_ =	shalt  }
0x51: {  	_ =	shalt  }
0x52: {  	_ =	shalt  }
0x53: {  	_ =	shalt  }
0x54: {  	_ =	shalt  }
0x55: {  	_ =	shalt  }
0x56: {  	_ =	shalt  }
0x57: {  	_ =	shalt  }
0x58: {  	_ =	shalt  }
0x59: {  	_ =	shalt  }
0x5a: {  	_ =	shalt  }
0x5b: {  	_ =	shalt  }
0x5c: {  	_ =	shalt  }
0x5d: {  	_ =	shalt  }
0x5e: {  	_ =	shalt  }
0x5f: {  	_ =	shalt  }
0x60: {  	_ =	shalt  }
0x61: {  	_ =	shalt  }
0x62: {  	_ =	shalt  }
0x63: {  	_ =	shalt  }
0x64: {  	_ =	shalt  }
0x65: {  	_ =	shalt  }
0x66: {  	_ =	shalt  }
0x67: {  	_ =	shalt  }
0x68: {  	_ =	shalt  }
0x69: {  	_ =	shalt  }
0x6a: {  	_ =	shalt  }
0x6b: {  	_ =	shalt  }
0x6c: {  	_ =	shalt  }
0x6d: {  	_ =	shalt  }
0x6e: {  	_ =	shalt  }
0x6f: {  	_ =	shalt  }
0x70: {  	_ =	shalt  }
0x71: {  	_ =	shalt  }
0x72: {  	_ =	shalt  }
0x73: {  	_ =	shalt  }
0x74: {  	_ =	shalt  }
0x75: {  	_ =	shalt  }
0x76: {  	_ =	shalt  }
0x77: {  	_ =	shalt  }
0x78: {  	_ =	shalt  }
0x79: {  	_ =	shalt  }
0x7a: {  	_ =	shalt  }
0x7b: {  	_ =	shalt  }
0x7c: {  	_ =	shalt  }
0x7d: {  	_ =	shalt  }
0x7e: {  	_ =	shalt  }
0x7f: {  	_ =	shalt  }
0x80: {  	_ =	shalt  }
0x81: {  	_ =	shalt  }
0x82: {  	_ =	shalt  }
0x83: {  	_ =	shalt  }
0x84: {  	_ =	shalt  }
0x85: {  	_ =	shalt  }
0x86: {  	_ =	shalt  }
0x87: {  	_ =	shalt  }
.Lfunc_end0:
.L_simem_size_0:
called_computation_lowered:
.L_overlay_start_0:
0x88: {  	s2 =	sld [smem:$0x3FD9]  }
0x89: {  	s3 =	sld [smem:$0x3FFE];
	_ =	sdelay $0x1  }
0x8a: {  	s1 =	srdreg.scid  }
0x8b: {  	s0 =	sand.u32 $0x1, s1  }
0x8c: {  	s17 =	sshll.u32 s0, $0xA;
	s2 =	sadd.s32 s3, s2  }
0x8d: {  	s2 =	sadd.s32 s2, s17  }
0x8e: {  	[smem:$0x3FA8] =	sst s2  }
0x8f: {  	_ = 	snop  }
0x90: {  	s2 =	sld [smem:$0x3FD0];
	(tm) =	ssettm $0x1  }
0x91: {  	s18 =	sld [smem:$0x3FFB];
	_ =	sdelay $0x3  }
0x92: {  	_ =	strace s18  }
0x93: {  	s3 =	sld [smem:$0x3FFC];
	_ =	sdelay $0x3  }
0x94: {  	_ =	strace s3  }
0x95: {  	s3 =	sld [smem:$0x3FFD];
	_ =	sdelay $0x3  }
0x96: {  	_ =	strace s3  }
0x97: {  	_ =	strace $0x8FFFFFFF  }
0x98: {  	s19 =	sld [smem:$0x3FDB];
	_ =	sdelay $0x1  }
0x99: {  	s4 =	simm.s32 $_scs_section_size  }
0x9a: {  	s5 =	simm.s32 $_size__tile_overlayer_lowered;
	s6 =	simm.s32 $_tile_overlayer_lowered  }
0x9b: {  	s22 =	simm.s32 $0x1BFF;
	s21 =	sshll.u32 s6, $0x1;
	s3 =	sadd.s32 s4, s19  }
0x9c: {  	s7 =	simm.s32 $0x0;
	s20 =	sshll.u32 s5, $0x1;
	s5 =	sadd.s32 s21, s3  }
0x9d: {  	[timem:s7], [sflag:s22] =	dma.local [hbm:s5], s20  }
0x9e: {  	_ =	swait.ge [sflag:s22], s20  }
0x9f: {  	s4 =	ssub.s32 $0x0, s20;
	[sflag:s22] =	ssyncset.done $0x0  }
0xa0: {  	[sflag:s22] =	ssyncadd.s32 s4;
	_ =	sdelay $0x1  }
0xa1: {  	s23 =	simm.s32 $0x1B8B  }
0xa2: {  	_ =	swait.ge [sflag:s23], $0x1  }
0xa3: {  	[sflag:s23] =	ssyncset.done $0x0  }
0xa4: {  	s25 =	simm.s32 $0x1B8E;
	s24 =	sld [smem:$0x3FFE];
	[sflag:s23] =	ssyncadd.s32 $0xFFFFFFFF  }
0xa5: {  	s26 =	simm.s32 $execute0_lowered;
	[smem:$0x3FD2] =	sst s25  }
0xa6: {  	s5 =	sshll.u32 s26, $0x1;
	_ =	strace $0x80000046;
	[dreg:$0x1] =	wrdreg $0xFFFFFFFF  }
0xa7: {  	s28 =	simm.s32 $_size_execute0_lowered;
	s3 =	sadd.s32 s3, s5;
	[dreg:$0x0] =	wrdreg $0x0  }
0xa8: {  	s5 =	sshll.u32 s28, $0x1;
	[dreg:$0x2] =	wrdreg s3  }
0xa9: {  	[dreg:$0x3] =	wrdreg s5  }
0xaa: {  	[dreg:$0x4] =	wrdreg $0xC0  }
0xab: {  	_ =	task [dreg:s7], $0x5FFFF  }
0xac: {  	[dreg:$0x1] =	wrdreg $0xFFFFFFFF  }
0xad: {  	[dreg:$0x0] =	wrdreg $0x60  }
0xae: {  	[dreg:$0x2] =	wrdreg s2  }
0xaf: {  	[dreg:$0x3] =	wrdreg s24  }
0xb0: {  	[dreg:$0x4] =	wrdreg $0x9000  }
0xb1: {  	[dreg:$0x5] =	wrdreg $0x9  }
0xb2: {  	_ =	task.clear_ibuf [dreg:s7], $0x6FFFF;
	_ =	strace $0x90000046  }
0xb3: {  	s29 =	simm.s32 $0x9;
	_ =	strace $0x80000048  }
0xb4: {  	_ =	swait.ge [sflag:s29], $0x1  }
0xb5: {  	[sflag:s29] =	ssyncadd.s32 $0xFFFFFFFF  }
0xb6: {  	_ =	strace $0x90000048  }
0xb7: {  	_ =	sfence  }
0xb8: {  	s30 =	sld [smem:$0x0];
	_ =	sdelay $0x2  }
0xb9: {  	s31 =	sshll.u32 s1, $0xD;
	s1 =	sshrl.u32 s1, $0x2  }
0xba: {  	s3 =	sand.u32 $0x4000, s31;
	s1 =	sadd.s32 s1, s30  }
0xbb: {  	s0 =	sor.u32 s3, s0;
	s1 =	sshll.u32 s1, $0x11  }
0xbc: {  	s0 =	sor.u32 s1, s0  }
0xbd: {  	s0 =	sadd.s32 $0x8F2B, s0  }
0xbe: {  	[sflag:s0] =	ssyncadd.remote.s32 $0x1  }
0xbf: {  	_ =	sfence.sel $0xFFFF  }
0xc0: {  	[dreg:$0x0] =	wrdreg $0xFFFFFFFF;
	(pc) =	sbr.abs _section_cstart, $3  }
0xc1: {  	[dreg:$0x1] =	wrdreg $0xFFFFFFFF  }
0xc2: {  	_ =	task.clear_ibuf [dreg:s7], $0x2FFFF;
	_ =	strace $0x9FFFFFFF  }
0xc3: {  	(tm) =	ssettm $0x7FFFFFFF  }
tec
execute0_lowered:
.L_overlay_start_1:
0x0: {  	(tag) =	ssettag $0x1  }
0x1: {  	s5 =	rddreg [dreg:$0x0]  }
0x2: {  	s4 =	rddreg [dreg:$0x1]  }
0x3: {  	s2 =	rddreg [dreg:$0x2];
	s3 =	srdreg.scid  }
0x4: {  	s0 =	rddreg [dreg:$0x3];
	s1 =	stileid.u32;
	s11 =	simm.s32 $0x80  }
0x5: {  	s12 =	simm.s32 $0x500;
	s13 =	simm.s32 $0x0;
	s6 =	sand.u32 $0x1, s3  }
0x6: {  	s3 =	simm.s32 $0x0;
	s7 =	sshll.u32 s1, $0xA;
	s31 =	sshll.u32 s1, $0x4  }
0x7: {  	s8 =	sshll.u32 s6, $0xE;
	[smem:$0x7FF] =	sst s3;
	s9 =	ssub.s32 $0x2, s6  }
0x8: {  	s6 =	sshll.u32 s6, $0x8;
	s5 =	sadd.s32 s5, s31;
	s8 =	sor.u32 s7, s8  }
0x9: {  	_ =	strace $0x80000047;
	s10 =	sshrl.u32 s9, $0x1;
	s5 =	sadd.s32 s6, s5  }
0xa: {  	s8 =	sshrl.u32 s8, $0x3;
	s9 =	ssub.s32 s9, s10;
	s10 =	simm.s32 $0x40  }
0xb: {  	s8 =	sadd.s32 s8, s4;
	s4 =	sadd.s32 s7, s2;
	s7 =	smax.u32 s9, $0x1  }
0xc: {  	v0 =	vimm.f32 $1.000000000e+00;
	v1 =	vimm.f32 $0.0e+00;
	s9 =	simm.s32 $0x1;
	s6 =	sadd.s32 $0x3800, s8;
	s8 =	simm.s32 $0x100  }
.LBB2_1:
0xd: {  	[tilespmem:$0x80] =	vst v0  }
0xe: {  	[tilespmem:$0x90] =	vst v0  }
0xf: {  	[tilespmem:$0xA0] =	vst v0  }
0x10: {  	[tilespmem:$0xB0] =	vst v0;
	s14 =	simm.s32 $0x40;
	s15 =	simm.s32 $0x0  }
.LBB2_2:
0x11: {  	p0 =	sne.s32 s14, $0xFC0;
	[tilespmem:s15+$0x100] =	vst v1;
	s15 =	smov.u32 s14;
	s14 =	sadd.s32 $0x40, s14  }
.Ltmp0:
0x12: {  	(pc) =	sbr.rel @p0 .LBB2_2-.Ltmp0, $2  }
0x13: {  	_ =	sdelay $0x2  }
0x14: {  	s15 =	sshra.s32 s15, $0x2  }
0x15: {  	[tilespmem:s15+$0x100] =	vst v1  }
0x16: {  	[spmem:s4] =	stream.linear.scatter [tilespmem:s8], [sflag:$0x1], $0x400, $0x38;
	[tilespmem:$0xD00] =	vst v63  }
0x17: {  	_ =	swait.ge [sflag:s9], $0x400  }
0x18: {  	[sflag:s9] =	ssyncset.done $0x0  }
0x19: {  	[sflag:s9] =	ssyncadd.s32 $0xFFFFFC00  }
0x1a: {  	[bflag:$0x0] =	sbarrier.arrive $0xFFFF  }
0x1b: {  	[tilespmem:s3], [sflag:$0x1] =	stream.linear.gather [hbm4b:s5+s3], $0x80, $0x38;
	[tilespmem:$0xD00] =	vst v63  }
0x1c: {  	_ =	swait.ge [sflag:s9], $0x80  }
0x1d: {  	[sflag:s9] =	ssyncset.done $0x0  }
0x1e: {  	[sflag:s9] =	ssyncadd.s32 $0xFFFFFF80  }
0x1f: {  	[spmem:s2] =	stream.indirect.scatter.add.f32 [tilespmem:s11], [sflag:$0x1], $0x1, s3, s10, $0xb8;
	[tilespmem:$0xD00] =	vst v63  }
0x20: {  	_ =	swait.ge [sflag:s9], $0x40  }
0x21: {  	[sflag:s9] =	ssyncset.done $0x0  }
0x22: {  	[sflag:s9] =	ssyncadd.s32 $0xFFFFFFC0  }
0x23: {  	[bflag:$0x0] =	sbarrier.arrive $0xFFFF  }
0x24: {  	[tilespmem:s12], [sflag:$0x1] =	stream.linear.gather [spmem:s4], $0x400, $0x38;
	[tilespmem:$0xD00] =	vst v63  }
0x25: {  	s13 =	sadd.s32 $0x1, s13;
	_ =	swait.ge [sflag:s9], $0x400  }
0x26: {  	p0 =	sne.s32 s13, s7;
	[sflag:s9] =	ssyncset.done $0x0  }
.Ltmp1:
0x27: {  	[sflag:s9] =	ssyncadd.s32 $0xFFFFFC00;
	(pc) =	sbr.rel @p0 .LBB2_1-.Ltmp1, $4  }
0x28: {  	[hbm4b:s6+s3] =	stream.linear.scatter [tilespmem:s12], [sflag:$0x1], $0x400, $0x38;
	[tilespmem:$0xD00] =	vst v63  }
0x29: {  	_ =	swait.ge [sflag:s9], $0x400  }
0x2a: {  	[sflag:s9] =	ssyncset.done $0x0  }
0x2b: {  	[sflag:s9] =	ssyncadd.s32 $0xFFFFFC00  }
0x2c: {  	_ =	sfence.sel $0x180000  }
0x2d: {  	[bflag:$0x0] =	sbarrier.arrive $0xFFFF  }
0x2e: {  	p0 =	sne.s32 s1, $0x0;
	_ =	strace $0x90000047  }
0x2f: {  	s0 =	sadd.s32 @!p0 $0x100000, s0;
	[bflag:$0x2] =	sbarrier.arrive $0xFFFF  }
0x30: {  	[sflag:s0] =	ssyncadd.tile.s32 @!p0 $0x1;
	_ =	shalt  }
.Lfunc_end2:
_tile_overlayer_lowered:
.L_overlay_start_2:
0x31: {  	(tag) =	ssettag $0x2  }
0x32: {  	s0 =	rddreg [dreg:$0x0];
	s2 =	stileid.u32  }
0x33: {  	s1 =	rddreg [dreg:$0x1];
	p0 =	sne.s32 s2, $0x0  }
0x34: {  	s3 =	rddreg [dreg:$0x2];
	[bflag:$0x3] =	sbarrier.arrive $0xFFFF;
	s2 =	simm.s32 @!p0 $0x1C01  }
0x35: {  	[timem:s3], [sflag:s2] =	dma.local @!p0 [hbm:s0], s1  }
0x36: {  	s0 =	simm.s32 @!p0 $0x1  }
0x37: {  	_ =	swait.ge @!p0 [sflag:s0], s1  }
0x38: {  	s1 =	ssub.s32 @!p0 $0x0, s1;
	[sflag:s0] =	ssyncset.done @!p0 $0x0  }
0x39: {  	[sflag:s0] =	ssyncadd.s32 @!p0 s1  }
0x3a: {  	[bflag:$0x3] =	sbarrier.arrive $0xFFFF  }
0x3b: {  	_ =	shalt  }

</sc_bundles>
